<compile_context>
chip_gen: v7x
topology: tpu7x:2x2x1
jax: 0.10.2.dev20260603
libtpu: 0.0.44.dev20260713+nightly
codegen_flags: <defaults>
</compile_context>

<pallas_src>
import jax
import jax.numpy as jnp
from jax import lax
from jax.experimental import pallas as pl
from jax.experimental.pallas import tpu as pltpu
from jax.experimental.pallas import tpu_sc as plsc

N = 10000
NPAD = 10240
D = 128
E = 320000
CH = 128
ZR = NPAD // 16
RB = 1000
MB = 1024
NG = 10
NCHA = 79
PA = 40

EPT = E // 16
NCH = 157

_mesh = plsc.VectorSubcoreMesh(core_axis_name="c", subcore_axis_name="s")



def _hist_kernel(eall, out, hist2, ibs, ibd):
    c = lax.axis_index("c")
    s = lax.axis_index("s")
    pltpu.sync_copy(eall.at[c, 0, s], ibs)
    pltpu.sync_copy(eall.at[c, 1, s], ibd)
    ones16 = jnp.ones((16,), jnp.float32)

    for a, ib in ((0, ibs), (1, ibd)):
        def zero_r(i, carry):
            def zero_k(k, carry2):
                hist2[i, pl.ds(k * 16, 16)] = jnp.zeros((16,), jnp.float32)
                return carry2

            return lax.fori_loop(0, CH // 16, zero_k, carry)

        lax.fori_loop(0, NPAD // CH, zero_r, 0)

        def scat_j(j, carry, _ib=ib):
            def scat_k(k, carry2):
                idx = _ib[j, pl.ds(k * 16, 16)]
                ri = lax.shift_right_logical(idx, 7)
                ci = lax.bitwise_and(idx, 127)
                plsc.addupdate_scatter(hist2, [ri, ci], ones16)
                return carry2

            return lax.fori_loop(0, CH // 16, scat_k, carry)

        lax.fori_loop(0, NCH, scat_j, 0)
        pltpu.sync_copy(hist2, out.at[c, a, s])


_hist_call = pl.kernel(
    _hist_kernel,
    out_type=jax.ShapeDtypeStruct((2, 2, 16, NPAD // CH, CH), jnp.float32),
    mesh=_mesh,
    scratch_types=[
        pltpu.VMEM((NPAD // CH, CH), jnp.float32),
        pltpu.VMEM((NCH, CH), jnp.int32),
        pltpu.VMEM((NCH, CH), jnp.int32),
    ],
    compiler_params=pltpu.CompilerParams(needs_layout_passes=False),
)



def _agg_kernel(h_hbm, edges, zeros_hbm, out, accum, ibuf, r0, r1,
                sem_g, sem_s):
    c = lax.axis_index("c")
    s = lax.axis_index("s")
    wid = c * 16 + s
    pltpu.sync_copy(zeros_hbm.at[pl.ds(s * ZR, ZR)],
                    accum.at[pl.ds(s * ZR, ZR)])

    def gath(j, buf):
        pltpu.async_copy(h_hbm.at[ibuf.at[0, j]], buf, sem_g)

    def scat(j, buf):
        pltpu.async_copy(buf, accum.at[ibuf.at[1, j]], sem_s, add=True)

    def wait_g():
        pltpu.make_async_copy(h_hbm.at[pl.ds(0, CH)], r0, sem_g).wait()

    def wait_s():
        pltpu.make_async_copy(r0, accum.at[pl.ds(0, CH)], sem_s).wait()

    first = True
    for jb, n in ((0, PA), (PA, NCHA - PA)):
        pltpu.sync_copy(edges.at[0, wid, pl.ds(jb, n)],
                        ibuf.at[0, pl.ds(0, n)])
        pltpu.sync_copy(edges.at[1, wid, pl.ds(jb, n)],
                        ibuf.at[1, pl.ds(0, n)])
        if first:
            plsc.subcore_barrier()
            first = False

        gath(0, r0)

        def body(p, carry, _n=n):
            j0 = 2 * p
            wait_g()

            @pl.when(p > 0)
            def _ws():
                wait_s()

            scat(j0, r0)
            gath(j0 + 1, r1)
            wait_g()
            wait_s()
            scat(j0 + 1, r1)

            @pl.when(j0 + 2 < _n)
            def _g2():
                gath(j0 + 2, r0)

            return carry

        lax.fori_loop(0, n // 2, body, 0)
        if n % 2:
            wait_g()
            wait_s()
            scat(n - 1, r0)
            wait_s()
        else:
            wait_s()

    plsc.subcore_barrier()

    @pl.when(s < 10)
    def _writeback():
        pltpu.sync_copy(accum.at[pl.ds(s * RB, RB)],
                        out.at[c, pl.ds(s * RB, RB)])


_agg_call = pl.kernel(
    _agg_kernel,
    out_type=jax.ShapeDtypeStruct((2, N, D), jnp.float32),
    mesh=_mesh,
    scratch_types=[
        pltpu.VMEM_SHARED((NPAD, D), jnp.float32),
        pltpu.VMEM((2, PA, CH), jnp.int32),
        pltpu.VMEM((CH, D), jnp.float32),
        pltpu.VMEM((CH, D), jnp.float32),
        pltpu.SemaphoreType.DMA,
        pltpu.SemaphoreType.DMA,
    ],
)



def _deg_scale(hp):
    deg = jnp.sum(hp, axis=0)[:, None]
    return lax.rsqrt(jnp.maximum(deg, 1.0))


def _scale_kernel(x_ref, hp_ref, o_ref):
    o_ref[...] = x_ref[...] * _deg_scale(hp_ref[...])


_scale_call = pl.pallas_call(
    _scale_kernel,
    out_shape=jax.ShapeDtypeStruct((N, D), jnp.float32),
    grid=(NG,),
    in_specs=[
        pl.BlockSpec((MB, D), lambda i: (i, 0)),
        pl.BlockSpec((16, MB), lambda i: (0, i)),
    ],
    out_specs=pl.BlockSpec((MB, D), lambda i: (i, 0)),
)


def _mm0_kernel(agg_ref, hd_ref, hs_ref, w_ref, b_ref, o_ref):
    z = (agg_ref[0] + agg_ref[1]) * _deg_scale(hd_ref[...])
    y = jnp.dot(z, w_ref[...], preferred_element_type=jnp.float32)
    y = jnp.maximum(y + b_ref[...], 0.0)
    o_ref[...] = y * _deg_scale(hs_ref[...])


_mm0_call = pl.pallas_call(
    _mm0_kernel,
    out_shape=jax.ShapeDtypeStruct((N, D), jnp.float32),
    grid=(NG,),
    in_specs=[
        pl.BlockSpec((2, MB, D), lambda i: (0, i, 0)),
        pl.BlockSpec((16, MB), lambda i: (0, i)),
        pl.BlockSpec((16, MB), lambda i: (0, i)),
        pl.BlockSpec((D, D), lambda i: (0, 0)),
        pl.BlockSpec((1, D), lambda i: (0, 0)),
    ],
    out_specs=pl.BlockSpec((MB, D), lambda i: (i, 0)),
)


def _mm1_kernel(agg_ref, hd_ref, w_ref, b_ref, o_ref):
    z = (agg_ref[0] + agg_ref[1]) * _deg_scale(hd_ref[...])
    y = jnp.dot(z, w_ref[...], preferred_element_type=jnp.float32)
    o_ref[...] = jnp.maximum(y + b_ref[...], 0.0)


_mm1_call = pl.pallas_call(
    _mm1_kernel,
    out_shape=jax.ShapeDtypeStruct((N, D), jnp.float32),
    grid=(NG,),
    in_specs=[
        pl.BlockSpec((2, MB, D), lambda i: (0, i, 0)),
        pl.BlockSpec((16, MB), lambda i: (0, i)),
        pl.BlockSpec((D, D), lambda i: (0, 0)),
        pl.BlockSpec((1, D), lambda i: (0, 0)),
    ],
    out_specs=pl.BlockSpec((MB, D), lambda i: (i, 0)),
)



def _prep_edges(ei, nsplit, nch, pad_src, pad_dst):
    ept = E // nsplit
    padw = nch * CH - ept
    src = ei[0].reshape(nsplit, ept)
    dst = ei[1].reshape(nsplit, ept)
    srcp = jnp.pad(src, ((0, 0), (0, padw)),
                   constant_values=pad_src).reshape(nsplit, nch, CH)
    dstp = jnp.pad(dst, ((0, 0), (0, padw)),
                   constant_values=pad_dst).reshape(nsplit, nch, CH)
    return jnp.stack([srcp, dstp])


def kernel(x, edge_index0, edge_index1, num_dst0, num_dst1, W0, b0, W1, b1):
    ehist = jnp.stack([_prep_edges(edge_index0, 16, NCH, N, N),
                       _prep_edges(edge_index1, 16, NCH, N, N)])
    eagg0 = _prep_edges(edge_index0, 32, NCHA, 0, N)
    eagg1 = _prep_edges(edge_index1, 32, NCHA, 0, N)
    zeros = jnp.zeros((NPAD, D), jnp.float32)

    hists = _hist_call(ehist).reshape(2, 2, 16, NPAD)
    h = _scale_call(x, hists[0, 0])
    agg0 = _agg_call(h, eagg0, zeros)
    h1 = _mm0_call(agg0, hists[0, 1], hists[1, 0], W0, b0.reshape(1, D))
    agg1 = _agg_call(h1, eagg1, zeros)
    out = _mm1_call(agg1, hists[1, 1], W1, b1.reshape(1, D))
    return out

# --- scband reference (transcript-rebuilt; emitter-appended) ---
"""Pipeline reference for scband-stochastic-two-layer-gcn-60902636257341 (READ-ONLY COPY).

The authoritative reference and input builder live on the scoring server;
editing this copy changes nothing except your own understanding.
"""

import jax, jax.numpy as jnp
import numpy as np


def graph_conv(x_src, num_dst, edge_index, W, b):
    # DGL GraphConv with norm='both', aggregate-then-transform.
    # With pair input (x_src, x_dst), GraphConv only uses x_src for aggregation.
    src = edge_index[0]
    dst = edge_index[1]
    n_src = x_src.shape[0]
    n_dst = x_src.shape[0]
    out_deg = jnp.clip(jnp.bincount(src, length=n_src), 1).astype(x_src.dtype)
    h = x_src * jnp.power(out_deg, -0.5)[:, None]
    msg = jnp.take(h, src, axis=0)
    agg = jax.ops.segment_sum(msg, dst, num_segments=n_dst)
    agg = agg + jnp.zeros((), x_src.dtype) * num_dst
    in_deg = jnp.clip(jnp.bincount(dst, length=n_dst), 1).astype(x_src.dtype)
    agg = agg * jnp.power(in_deg, -0.5)[:, None]
    return agg @ W + b


def setup_inputs(seed: int = 0):
    key = jax.random.key(seed)
    ks = jax.random.split(key, 8)
    N = 10000
    E0 = 320000
    E1 = 320000
    D = 128
    H = 128
    O = 128
    x = jax.random.normal(ks[0], (N, D), dtype=jnp.float32)
    edge_index0 = jax.random.randint(ks[1], (2, E0), 0, N, dtype=jnp.int32)
    edge_index1 = jax.random.randint(ks[2], (2, E1), 0, N, dtype=jnp.int32)
    W0 = jax.random.normal(ks[3], (D, H), dtype=jnp.float32) * (1.0 / np.sqrt(D))
    b0 = jnp.zeros((H,), dtype=jnp.float32)
    W1 = jax.random.normal(ks[4], (H, O), dtype=jnp.float32) * (1.0 / np.sqrt(H))
    b1 = jnp.zeros((O,), dtype=jnp.float32)
    return {
        'x': x,
        'edge_index0': edge_index0,
        'edge_index1': edge_index1,
        'num_dst0': N,
        'num_dst1': N,
        'W0': W0,
        'b0': b0,
        'W1': W1,
        'b1': b1,
    }


def reference(x, edge_index0, edge_index1, num_dst0, num_dst1, W0, b0, W1, b1):
    # layer 0: x_dst = x[:num_dst0] (unused by GraphConv math)
    h = jax.nn.relu(graph_conv(x, num_dst0, edge_index0, W0, b0))
    # layer 1
    out = jax.nn.relu(graph_conv(h, num_dst1, edge_index1, W1, b1))
    return out

if __name__ == "__main__":
    import jax
    _d = setup_inputs()
    print(jax.jit(kernel)(*tuple(_d.values())))

</pallas_src>

<mosaic_0001>
#map = affine_map<(d0, d1) -> (0, 0, 0, 0, 0)>
module attributes {stable_mosaic.version = 14 : i64} {
  func.func @_hist_kernel(%arg0: i32, %arg1: i32, %arg2: memref<2x2x16x157x128xi32, #tpu.memory_space<hbm>>, %arg3: memref<2x2x16x80x128xf32, #tpu.memory_space<hbm>>, %arg4: memref<80x128xf32, #tpu.memory_space<vmem>>, %arg5: memref<157x128xi32, #tpu.memory_space<vmem>>, %arg6: memref<157x128xi32, #tpu.memory_space<vmem>>) attributes {dimension_semantics = [#tpu.dimension_semantics<core_parallel>, #tpu.dimension_semantics<subcore_parallel>], iteration_bounds = array<i64: 2, 16>, scalar_prefetch = 0 : i64, scratch_operands = 3 : i64, tpu.core_type = #tpu.core_type<sc_vector_subcore>, window_params = [{transform_indices = #map}, {transform_indices = #map}]} {
    %run_scoped3A = arith.constant 0 : i32
    "tpu.region"() ({
      %run_scoped3A_27 = tpu.sem_alloc : memref<!tpu.dma_semaphore, #tpu.memory_space<semaphore_mem>>
      %dma_start3A = arith.constant 0 : i32
      %dma_start3A_28 = arith.constant 0 : i32
      %dma_start3A_29 = tpu.memref_slice %arg2[%arg0, %run_scoped3A, %arg1, %dma_start3A, %dma_start3A_28] : memref<2x2x16x157x128xi32, #tpu.memory_space<hbm>> -> memref<1x1x1x157x128xi32, #tpu.memory_space<hbm>>
      %dma_start3A_30 = tpu.memref_squeeze %dma_start3A_29 : memref<1x1x1x157x128xi32, #tpu.memory_space<hbm>> -> memref<157x128xi32, #tpu.memory_space<hbm>>
      %dma_start3A_31 = arith.constant 0 : i32
      %dma_start3A_32 = arith.constant 0 : i32
      %dma_start3A_33 = tpu.memref_slice %arg2[%arg0, %run_scoped3A, %arg1, %dma_start3A_31, %dma_start3A_32] : memref<2x2x16x157x128xi32, #tpu.memory_space<hbm>> -> memref<1x1x1x157x128xi32, #tpu.memory_space<hbm>>
      %dma_start3A_34 = tpu.memref_squeeze %dma_start3A_33 : memref<1x1x1x157x128xi32, #tpu.memory_space<hbm>> -> memref<157x128xi32, #tpu.memory_space<hbm>>
      tpu.enqueue_dma source(%dma_start3A_34 : memref<157x128xi32, #tpu.memory_space<hbm>>) target(%arg5 : memref<157x128xi32, #tpu.memory_space<vmem>>) target_semaphore(%run_scoped3A_27 : memref<!tpu.dma_semaphore, #tpu.memory_space<semaphore_mem>>)
      %dma_wait3A = arith.constant 0 : i32
      %dma_wait3A_35 = arith.constant 0 : i32
      %dma_wait3A_36 = tpu.memref_slice %arg2[%arg0, %run_scoped3A, %arg1, %dma_wait3A, %dma_wait3A_35] : memref<2x2x16x157x128xi32, #tpu.memory_space<hbm>> -> memref<1x1x1x157x128xi32, #tpu.memory_space<hbm>>
      %dma_wait3A_37 = tpu.memref_squeeze %dma_wait3A_36 : memref<1x1x1x157x128xi32, #tpu.memory_space<hbm>> -> memref<157x128xi32, #tpu.memory_space<hbm>>
      %dma_wait3A_38 = arith.constant 0 : i32
      %dma_wait3A_39 = arith.constant 0 : i32
      %dma_wait3A_40 = tpu.memref_slice %arg2[%arg0, %run_scoped3A, %arg1, %dma_wait3A_38, %dma_wait3A_39] : memref<2x2x16x157x128xi32, #tpu.memory_space<hbm>> -> memref<1x1x1x157x128xi32, #tpu.memory_space<hbm>>
      %dma_wait3A_41 = tpu.memref_squeeze %dma_wait3A_40 : memref<1x1x1x157x128xi32, #tpu.memory_space<hbm>> -> memref<157x128xi32, #tpu.memory_space<hbm>>
      tpu.wait_dma2 semaphore(%run_scoped3A_27 : memref<!tpu.dma_semaphore, #tpu.memory_space<semaphore_mem>>) src(%dma_wait3A_41 : memref<157x128xi32, #tpu.memory_space<hbm>>) dst(%arg5 : memref<157x128xi32, #tpu.memory_space<vmem>>)
      tpu.yield
    }) : () -> ()
    %run_scoped3A_0 = arith.constant 1 : i32
    "tpu.region"() ({
      %run_scoped3A_27 = tpu.sem_alloc : memref<!tpu.dma_semaphore, #tpu.memory_space<semaphore_mem>>
      %dma_start3A = arith.constant 0 : i32
      %dma_start3A_28 = arith.constant 0 : i32
      %dma_start3A_29 = tpu.memref_slice %arg2[%arg0, %run_scoped3A_0, %arg1, %dma_start3A, %dma_start3A_28] : memref<2x2x16x157x128xi32, #tpu.memory_space<hbm>> -> memref<1x1x1x157x128xi32, #tpu.memory_space<hbm>>
      %dma_start3A_30 = tpu.memref_squeeze %dma_start3A_29 : memref<1x1x1x157x128xi32, #tpu.memory_space<hbm>> -> memref<157x128xi32, #tpu.memory_space<hbm>>
      %dma_start3A_31 = arith.constant 0 : i32
      %dma_start3A_32 = arith.constant 0 : i32
      %dma_start3A_33 = tpu.memref_slice %arg2[%arg0, %run_scoped3A_0, %arg1, %dma_start3A_31, %dma_start3A_32] : memref<2x2x16x157x128xi32, #tpu.memory_space<hbm>> -> memref<1x1x1x157x128xi32, #tpu.memory_space<hbm>>
      %dma_start3A_34 = tpu.memref_squeeze %dma_start3A_33 : memref<1x1x1x157x128xi32, #tpu.memory_space<hbm>> -> memref<157x128xi32, #tpu.memory_space<hbm>>
      tpu.enqueue_dma source(%dma_start3A_34 : memref<157x128xi32, #tpu.memory_space<hbm>>) target(%arg6 : memref<157x128xi32, #tpu.memory_space<vmem>>) target_semaphore(%run_scoped3A_27 : memref<!tpu.dma_semaphore, #tpu.memory_space<semaphore_mem>>)
      %dma_wait3A = arith.constant 0 : i32
      %dma_wait3A_35 = arith.constant 0 : i32
      %dma_wait3A_36 = tpu.memref_slice %arg2[%arg0, %run_scoped3A_0, %arg1, %dma_wait3A, %dma_wait3A_35] : memref<2x2x16x157x128xi32, #tpu.memory_space<hbm>> -> memref<1x1x1x157x128xi32, #tpu.memory_space<hbm>>
      %dma_wait3A_37 = tpu.memref_squeeze %dma_wait3A_36 : memref<1x1x1x157x128xi32, #tpu.memory_space<hbm>> -> memref<157x128xi32, #tpu.memory_space<hbm>>
      %dma_wait3A_38 = arith.constant 0 : i32
      %dma_wait3A_39 = arith.constant 0 : i32
      %dma_wait3A_40 = tpu.memref_slice %arg2[%arg0, %run_scoped3A_0, %arg1, %dma_wait3A_38, %dma_wait3A_39] : memref<2x2x16x157x128xi32, #tpu.memory_space<hbm>> -> memref<1x1x1x157x128xi32, #tpu.memory_space<hbm>>
      %dma_wait3A_41 = tpu.memref_squeeze %dma_wait3A_40 : memref<1x1x1x157x128xi32, #tpu.memory_space<hbm>> -> memref<157x128xi32, #tpu.memory_space<hbm>>
      tpu.wait_dma2 semaphore(%run_scoped3A_27 : memref<!tpu.dma_semaphore, #tpu.memory_space<semaphore_mem>>) src(%dma_wait3A_41 : memref<157x128xi32, #tpu.memory_space<hbm>>) dst(%arg6 : memref<157x128xi32, #tpu.memory_space<vmem>>)
      tpu.yield
    }) : () -> ()
    %broadcast_in_dim3A = arith.constant 1.000000e+00 : f32
    %broadcast_in_dim3A_1 = vector.broadcast %broadcast_in_dim3A : f32 to vector<16xf32>
    %scan3A = arith.constant 0 : i32
    %scan3A_2 = arith.constant 0 : i32
    %scan3A_3 = arith.constant 80 : i32
    %scan3A_4 = arith.addi %scan3A_2, %scan3A_3 : i32
    %scan3A_5 = arith.constant 1 : i32
    scf.for %scan3A_27 = %scan3A_2 to %scan3A_4 step %scan3A_5  : i32 {
      %scan3A_28 = arith.constant 0 : i32
      %scan3A_29 = arith.constant 8 : i32
      %scan3A_30 = arith.addi %scan3A_28, %scan3A_29 : i32
      %scan3A_31 = arith.constant 1 : i32
      scf.for %scan3A_33 = %scan3A_28 to %scan3A_30 step %scan3A_31  : i32 {
        %broadcast_in_dim3A_34 = arith.constant 0.000000e+00 : f32
        %broadcast_in_dim3A_35 = vector.broadcast %broadcast_in_dim3A_34 : f32 to vector<16xf32>
        %mul3A = arith.constant 16 : i32
        %mul3A_36 = arith.muli %scan3A_33, %mul3A : i32
        %swap3A = arith.index_cast %scan3A_27 : i32 to index
        %swap3A_37 = arith.index_cast %mul3A_36 : i32 to index
        %swap3A_38 = tpu.vector_load %arg4[%swap3A, %swap3A_37] {strides = array<i32>} : memref<80x128xf32, #tpu.memory_space<vmem>>, vector<16xf32>,
        tpu.vector_store %arg4[%swap3A, %swap3A_37], %broadcast_in_dim3A_35 {strides = array<i32>} : memref<80x128xf32, #tpu.memory_space<vmem>>, vector<16xf32>,
      }
      %scan3A_32 = arith.constant 8 : i32
    }
    %scan3A_6 = arith.constant 80 : i32
    %scan3A_7 = arith.constant 0 : i32
    %scan3A_8 = arith.constant 0 : i32
    %scan3A_9 = arith.constant 157 : i32
    %scan3A_10 = arith.addi %scan3A_8, %scan3A_9 : i32
    %scan3A_11 = arith.constant 1 : i32
    scf.for %scan3A_27 = %scan3A_8 to %scan3A_10 step %scan3A_11  : i32 {
      %scan3A_28 = arith.constant 0 : i32
      %scan3A_29 = arith.constant 8 : i32
      %scan3A_30 = arith.addi %scan3A_28, %scan3A_29 : i32
      %scan3A_31 = arith.constant 1 : i32
      scf.for %scan3A_33 = %scan3A_28 to %scan3A_30 step %scan3A_31  : i32 {
        %mul3A = arith.constant 16 : i32
        %mul3A_34 = arith.muli %scan3A_33, %mul3A : i32
        %get3A = arith.index_cast %scan3A_27 : i32 to index
        %get3A_35 = arith.index_cast %mul3A_34 : i32 to index
        %get3A_36 = tpu.vector_load %arg5[%get3A, %get3A_35] {strides = array<i32>} : memref<157x128xi32, #tpu.memory_space<vmem>>, vector<16xi32>,
        %shift_right_logical3A = arith.constant 7 : i32
        %shift_right_logical3A_37 = vector.broadcast %shift_right_logical3A : i32 to vector<16xi32>
        %shift_right_logical3A_38 = arith.shrui %get3A_36, %shift_right_logical3A_37 : vector<16xi32>
        %and3A = arith.constant 127 : i32
        %and3A_39 = vector.broadcast %and3A : i32 to vector<16xi32>
        %and3A_40 = arith.andi %get3A_36, %and3A_39 : vector<16xi32>
        tpu.vector_store_idx %arg4[%shift_right_logical3A_38, %and3A_40], %broadcast_in_dim3A_1 {add = true} : memref<80x128xf32, #tpu.memory_space<vmem>>[vector<16xi32>, vector<16xi32>], vector<16xf32>,
      }
      %scan3A_32 = arith.constant 8 : i32
    }
    %scan3A_12 = arith.constant 157 : i32
    %run_scoped3A_13 = arith.constant 0 : i32
    "tpu.region"() ({
      %run_scoped3A_27 = tpu.sem_alloc : memref<!tpu.dma_semaphore, #tpu.memory_space<semaphore_mem>>
      %dma_start3A = arith.constant 0 : i32
      %dma_start3A_28 = arith.constant 0 : i32
      %dma_start3A_29 = tpu.memref_slice %arg3[%arg0, %run_scoped3A_13, %arg1, %dma_start3A, %dma_start3A_28] : memref<2x2x16x80x128xf32, #tpu.memory_space<hbm>> -> memref<1x1x1x80x128xf32, #tpu.memory_space<hbm>>
      %dma_start3A_30 = tpu.memref_squeeze %dma_start3A_29 : memref<1x1x1x80x128xf32, #tpu.memory_space<hbm>> -> memref<80x128xf32, #tpu.memory_space<hbm>>
      %dma_start3A_31 = arith.constant 0 : i32
      %dma_start3A_32 = arith.constant 0 : i32
      %dma_start3A_33 = tpu.memref_slice %arg3[%arg0, %run_scoped3A_13, %arg1, %dma_start3A_31, %dma_start3A_32] : memref<2x2x16x80x128xf32, #tpu.memory_space<hbm>> -> memref<1x1x1x80x128xf32, #tpu.memory_space<hbm>>
      %dma_start3A_34 = tpu.memref_squeeze %dma_start3A_33 : memref<1x1x1x80x128xf32, #tpu.memory_space<hbm>> -> memref<80x128xf32, #tpu.memory_space<hbm>>
      tpu.enqueue_dma source(%arg4 : memref<80x128xf32, #tpu.memory_space<vmem>>) target(%dma_start3A_34 : memref<80x128xf32, #tpu.memory_space<hbm>>) target_semaphore(%run_scoped3A_27 : memref<!tpu.dma_semaphore, #tpu.memory_space<semaphore_mem>>)
      %dma_wait3A = arith.constant 0 : i32
      %dma_wait3A_35 = arith.constant 0 : i32
      %dma_wait3A_36 = tpu.memref_slice %arg3[%arg0, %run_scoped3A_13, %arg1, %dma_wait3A, %dma_wait3A_35] : memref<2x2x16x80x128xf32, #tpu.memory_space<hbm>> -> memref<1x1x1x80x128xf32, #tpu.memory_space<hbm>>
      %dma_wait3A_37 = tpu.memref_squeeze %dma_wait3A_36 : memref<1x1x1x80x128xf32, #tpu.memory_space<hbm>> -> memref<80x128xf32, #tpu.memory_space<hbm>>
      %dma_wait3A_38 = arith.constant 0 : i32
      %dma_wait3A_39 = arith.constant 0 : i32
      %dma_wait3A_40 = tpu.memref_slice %arg3[%arg0, %run_scoped3A_13, %arg1, %dma_wait3A_38, %dma_wait3A_39] : memref<2x2x16x80x128xf32, #tpu.memory_space<hbm>> -> memref<1x1x1x80x128xf32, #tpu.memory_space<hbm>>
      %dma_wait3A_41 = tpu.memref_squeeze %dma_wait3A_40 : memref<1x1x1x80x128xf32, #tpu.memory_space<hbm>> -> memref<80x128xf32, #tpu.memory_space<hbm>>
      tpu.wait_dma2 semaphore(%run_scoped3A_27 : memref<!tpu.dma_semaphore, #tpu.memory_space<semaphore_mem>>) src(%arg4 : memref<80x128xf32, #tpu.memory_space<vmem>>) dst(%dma_wait3A_41 : memref<80x128xf32, #tpu.memory_space<hbm>>)
      tpu.yield
    }) : () -> ()
    %scan3A_14 = arith.constant 0 : i32
    %scan3A_15 = arith.constant 0 : i32
    %scan3A_16 = arith.constant 80 : i32
    %scan3A_17 = arith.addi %scan3A_15, %scan3A_16 : i32
    %scan3A_18 = arith.constant 1 : i32
    scf.for %scan3A_27 = %scan3A_15 to %scan3A_17 step %scan3A_18  : i32 {
      %scan3A_28 = arith.constant 0 : i32
      %scan3A_29 = arith.constant 8 : i32
      %scan3A_30 = arith.addi %scan3A_28, %scan3A_29 : i32
      %scan3A_31 = arith.constant 1 : i32
      scf.for %scan3A_33 = %scan3A_28 to %scan3A_30 step %scan3A_31  : i32 {
        %broadcast_in_dim3A_34 = arith.constant 0.000000e+00 : f32
        %broadcast_in_dim3A_35 = vector.broadcast %broadcast_in_dim3A_34 : f32 to vector<16xf32>
        %mul3A = arith.constant 16 : i32
        %mul3A_36 = arith.muli %scan3A_33, %mul3A : i32
        %swap3A = arith.index_cast %scan3A_27 : i32 to index
        %swap3A_37 = arith.index_cast %mul3A_36 : i32 to index
        %swap3A_38 = tpu.vector_load %arg4[%swap3A, %swap3A_37] {strides = array<i32>} : memref<80x128xf32, #tpu.memory_space<vmem>>, vector<16xf32>,
        tpu.vector_store %arg4[%swap3A, %swap3A_37], %broadcast_in_dim3A_35 {strides = array<i32>} : memref<80x128xf32, #tpu.memory_space<vmem>>, vector<16xf32>,
      }
      %scan3A_32 = arith.constant 8 : i32
    }
    %scan3A_19 = arith.constant 80 : i32
    %scan3A_20 = arith.constant 0 : i32
    %scan3A_21 = arith.constant 0 : i32
    %scan3A_22 = arith.constant 157 : i32
    %scan3A_23 = arith.addi %scan3A_21, %scan3A_22 : i32
    %scan3A_24 = arith.constant 1 : i32
    scf.for %scan3A_27 = %scan3A_21 to %scan3A_23 step %scan3A_24  : i32 {
      %scan3A_28 = arith.constant 0 : i32
      %scan3A_29 = arith.constant 8 : i32
      %scan3A_30 = arith.addi %scan3A_28, %scan3A_29 : i32
      %scan3A_31 = arith.constant 1 : i32
      scf.for %scan3A_33 = %scan3A_28 to %scan3A_30 step %scan3A_31  : i32 {
        %mul3A = arith.constant 16 : i32
        %mul3A_34 = arith.muli %scan3A_33, %mul3A : i32
        %get3A = arith.index_cast %scan3A_27 : i32 to index
        %get3A_35 = arith.index_cast %mul3A_34 : i32 to index
        %get3A_36 = tpu.vector_load %arg6[%get3A, %get3A_35] {strides = array<i32>} : memref<157x128xi32, #tpu.memory_space<vmem>>, vector<16xi32>,
        %shift_right_logical3A = arith.constant 7 : i32
        %shift_right_logical3A_37 = vector.broadcast %shift_right_logical3A : i32 to vector<16xi32>
        %shift_right_logical3A_38 = arith.shrui %get3A_36, %shift_right_logical3A_37 : vector<16xi32>
        %and3A = arith.constant 127 : i32
        %and3A_39 = vector.broadcast %and3A : i32 to vector<16xi32>
        %and3A_40 = arith.andi %get3A_36, %and3A_39 : vector<16xi32>
        tpu.vector_store_idx %arg4[%shift_right_logical3A_38, %and3A_40], %broadcast_in_dim3A_1 {add = true} : memref<80x128xf32, #tpu.memory_space<vmem>>[vector<16xi32>, vector<16xi32>], vector<16xf32>,
      }
      %scan3A_32 = arith.constant 8 : i32
    }
    %scan3A_25 = arith.constant 157 : i32
    %run_scoped3A_26 = arith.constant 1 : i32
    "tpu.region"() ({
      %run_scoped3A_27 = tpu.sem_alloc : memref<!tpu.dma_semaphore, #tpu.memory_space<semaphore_mem>>
      %dma_start3A = arith.constant 0 : i32
      %dma_start3A_28 = arith.constant 0 : i32
      %dma_start3A_29 = tpu.memref_slice %arg3[%arg0, %run_scoped3A_26, %arg1, %dma_start3A, %dma_start3A_28] : memref<2x2x16x80x128xf32, #tpu.memory_space<hbm>> -> memref<1x1x1x80x128xf32, #tpu.memory_space<hbm>>
      %dma_start3A_30 = tpu.memref_squeeze %dma_start3A_29 : memref<1x1x1x80x128xf32, #tpu.memory_space<hbm>> -> memref<80x128xf32, #tpu.memory_space<hbm>>
      %dma_start3A_31 = arith.constant 0 : i32
      %dma_start3A_32 = arith.constant 0 : i32
      %dma_start3A_33 = tpu.memref_slice %arg3[%arg0, %run_scoped3A_26, %arg1, %dma_start3A_31, %dma_start3A_32] : memref<2x2x16x80x128xf32, #tpu.memory_space<hbm>> -> memref<1x1x1x80x128xf32, #tpu.memory_space<hbm>>
      %dma_start3A_34 = tpu.memref_squeeze %dma_start3A_33 : memref<1x1x1x80x128xf32, #tpu.memory_space<hbm>> -> memref<80x128xf32, #tpu.memory_space<hbm>>
      tpu.enqueue_dma source(%arg4 : memref<80x128xf32, #tpu.memory_space<vmem>>) target(%dma_start3A_34 : memref<80x128xf32, #tpu.memory_space<hbm>>) target_semaphore(%run_scoped3A_27 : memref<!tpu.dma_semaphore, #tpu.memory_space<semaphore_mem>>)
      %dma_wait3A = arith.constant 0 : i32
      %dma_wait3A_35 = arith.constant 0 : i32
      %dma_wait3A_36 = tpu.memref_slice %arg3[%arg0, %run_scoped3A_26, %arg1, %dma_wait3A, %dma_wait3A_35] : memref<2x2x16x80x128xf32, #tpu.memory_space<hbm>> -> memref<1x1x1x80x128xf32, #tpu.memory_space<hbm>>
      %dma_wait3A_37 = tpu.memref_squeeze %dma_wait3A_36 : memref<1x1x1x80x128xf32, #tpu.memory_space<hbm>> -> memref<80x128xf32, #tpu.memory_space<hbm>>
      %dma_wait3A_38 = arith.constant 0 : i32
      %dma_wait3A_39 = arith.constant 0 : i32
      %dma_wait3A_40 = tpu.memref_slice %arg3[%arg0, %run_scoped3A_26, %arg1, %dma_wait3A_38, %dma_wait3A_39] : memref<2x2x16x80x128xf32, #tpu.memory_space<hbm>> -> memref<1x1x1x80x128xf32, #tpu.memory_space<hbm>>
      %dma_wait3A_41 = tpu.memref_squeeze %dma_wait3A_40 : memref<1x1x1x80x128xf32, #tpu.memory_space<hbm>> -> memref<80x128xf32, #tpu.memory_space<hbm>>
      tpu.wait_dma2 semaphore(%run_scoped3A_27 : memref<!tpu.dma_semaphore, #tpu.memory_space<semaphore_mem>>) src(%arg4 : memref<80x128xf32, #tpu.memory_space<vmem>>) dst(%dma_wait3A_41 : memref<80x128xf32, #tpu.memory_space<hbm>>)
      tpu.yield
    }) : () -> ()
    return
  }
}

#map = affine_map<(d0, d1) -> (0, 0)>
#map1 = affine_map<(d0, d1) -> (0, 0, 0, 0)>
#map2 = affine_map<(d0, d1) -> (0, 0, 0)>
module attributes {stable_mosaic.version = 14 : i64} {
  func.func @_agg_kernel(%arg0: i32, %arg1: i32, %arg2: memref<10000x128xf32, #tpu.memory_space<hbm>>, %arg3: memref<2x32x79x128xi32, #tpu.memory_space<hbm>>, %arg4: memref<10240x128xf32, #tpu.memory_space<hbm>>, %arg5: memref<2x10000x128xf32, #tpu.memory_space<hbm>>, %arg6: memref<10240x128xf32, #tpu.memory_space<vmem_shared>>, %arg7: memref<2x40x128xi32, #tpu.memory_space<vmem>>, %arg8: memref<128x128xf32, #tpu.memory_space<vmem>>, %arg9: memref<128x128xf32, #tpu.memory_space<vmem>>, %arg10: memref<!tpu.dma_semaphore, #tpu.memory_space<semaphore_mem>>, %arg11: memref<!tpu.dma_semaphore, #tpu.memory_space<semaphore_mem>>) attributes {dimension_semantics = [#tpu.dimension_semantics<core_parallel>, #tpu.dimension_semantics<subcore_parallel>], iteration_bounds = array<i64: 2, 16>, scalar_prefetch = 0 : i64, scratch_operands = 6 : i64, tpu.core_type = #tpu.core_type<sc_vector_subcore>, window_params = [{transform_indices = #map}, {transform_indices = #map1}, {transform_indices = #map}, {transform_indices = #map2}]} {
    %mul3A = arith.constant 16 : i32
    %mul3A_0 = arith.muli %arg0, %mul3A : i32
    %add3A = arith.addi %mul3A_0, %arg1 : i32
    %mul3A_1 = arith.constant 640 : i32
    %mul3A_2 = arith.muli %arg1, %mul3A_1 : i32
    %mul3A_3 = arith.constant 640 : i32
    %mul3A_4 = arith.muli %arg1, %mul3A_3 : i32
    "tpu.region"() ({
      %run_scoped3A_72 = tpu.sem_alloc : memref<!tpu.dma_semaphore, #tpu.memory_space<semaphore_mem>>
      %dma_start3A_73 = arith.constant 0 : i32
      %dma_start3A_74 = tpu.memref_slice %arg6[%mul3A_4, %dma_start3A_73] : memref<10240x128xf32, #tpu.memory_space<vmem_shared>> -> memref<640x128xf32, #tpu.memory_space<vmem_shared>>
      %dma_start3A_75 = arith.constant 0 : i32
      %dma_start3A_76 = tpu.memref_slice %arg4[%mul3A_2, %dma_start3A_75] : memref<10240x128xf32, #tpu.memory_space<hbm>> -> memref<640x128xf32, #tpu.memory_space<hbm>>
      tpu.enqueue_dma source(%dma_start3A_76 : memref<640x128xf32, #tpu.memory_space<hbm>>) target(%dma_start3A_74 : memref<640x128xf32, #tpu.memory_space<vmem_shared>>) target_semaphore(%run_scoped3A_72 : memref<!tpu.dma_semaphore, #tpu.memory_space<semaphore_mem>>)
      %dma_wait3A_77 = arith.constant 0 : i32
      %dma_wait3A_78 = tpu.memref_slice %arg6[%mul3A_4, %dma_wait3A_77] : memref<10240x128xf32, #tpu.memory_space<vmem_shared>> -> memref<640x128xf32, #tpu.memory_space<vmem_shared>>
      %dma_wait3A_79 = arith.constant 0 : i32
      %dma_wait3A_80 = tpu.memref_slice %arg4[%mul3A_2, %dma_wait3A_79] : memref<10240x128xf32, #tpu.memory_space<hbm>> -> memref<640x128xf32, #tpu.memory_space<hbm>>
      tpu.wait_dma2 semaphore(%run_scoped3A_72 : memref<!tpu.dma_semaphore, #tpu.memory_space<semaphore_mem>>) src(%dma_wait3A_80 : memref<640x128xf32, #tpu.memory_space<hbm>>) dst(%dma_wait3A_78 : memref<640x128xf32, #tpu.memory_space<vmem_shared>>)
      tpu.yield
    }) : () -> ()
    %run_scoped3A = arith.constant 0 : i32
    %run_scoped3A_5 = arith.constant 0 : i32
    "tpu.region"() ({
      %run_scoped3A_72 = tpu.sem_alloc : memref<!tpu.dma_semaphore, #tpu.memory_space<semaphore_mem>>
      %dma_start3A_73 = arith.constant 0 : i32
      %dma_start3A_74 = arith.constant 0 : i32
      %dma_start3A_75 = tpu.memref_slice %arg7[%run_scoped3A_5, %dma_start3A_73, %dma_start3A_74] : memref<2x40x128xi32, #tpu.memory_space<vmem>> -> memref<1x40x128xi32, #tpu.memory_space<vmem>>
      %dma_start3A_76 = tpu.memref_squeeze %dma_start3A_75 : memref<1x40x128xi32, #tpu.memory_space<vmem>> -> memref<40x128xi32, #tpu.memory_space<vmem>>
      %dma_start3A_77 = arith.constant 0 : i32
      %dma_start3A_78 = arith.constant 0 : i32
      %dma_start3A_79 = tpu.memref_slice %arg3[%run_scoped3A, %add3A, %dma_start3A_77, %dma_start3A_78] : memref<2x32x79x128xi32, #tpu.memory_space<hbm>> -> memref<1x1x40x128xi32, #tpu.memory_space<hbm>>
      %dma_start3A_80 = tpu.memref_squeeze %dma_start3A_79 : memref<1x1x40x128xi32, #tpu.memory_space<hbm>> -> memref<40x128xi32, #tpu.memory_space<hbm>>
      %dma_start3A_81 = arith.constant 0 : i32
      %dma_start3A_82 = arith.constant 0 : i32
      %dma_start3A_83 = tpu.memref_slice %arg7[%run_scoped3A_5, %dma_start3A_81, %dma_start3A_82] : memref<2x40x128xi32, #tpu.memory_space<vmem>> -> memref<1x40x128xi32, #tpu.memory_space<vmem>>
      %dma_start3A_84 = tpu.memref_squeeze %dma_start3A_83 : memref<1x40x128xi32, #tpu.memory_space<vmem>> -> memref<40x128xi32, #tpu.memory_space<vmem>>
      %dma_start3A_85 = arith.constant 0 : i32
      %dma_start3A_86 = arith.constant 0 : i32
      %dma_start3A_87 = tpu.memref_slice %arg3[%run_scoped3A, %add3A, %dma_start3A_85, %dma_start3A_86] : memref<2x32x79x128xi32, #tpu.memory_space<hbm>> -> memref<1x1x40x128xi32, #tpu.memory_space<hbm>>
      %dma_start3A_88 = tpu.memref_squeeze %dma_start3A_87 : memref<1x1x40x128xi32, #tpu.memory_space<hbm>> -> memref<40x128xi32, #tpu.memory_space<hbm>>
      tpu.enqueue_dma source(%dma_start3A_88 : memref<40x128xi32, #tpu.memory_space<hbm>>) target(%dma_start3A_84 : memref<40x128xi32, #tpu.memory_space<vmem>>) target_semaphore(%run_scoped3A_72 : memref<!tpu.dma_semaphore, #tpu.memory_space<semaphore_mem>>)
      %dma_wait3A_89 = arith.constant 0 : i32
      %dma_wait3A_90 = arith.constant 0 : i32
      %dma_wait3A_91 = tpu.memref_slice %arg7[%run_scoped3A_5, %dma_wait3A_89, %dma_wait3A_90] : memref<2x40x128xi32, #tpu.memory_space<vmem>> -> memref<1x40x128xi32, #tpu.memory_space<vmem>>
      %dma_wait3A_92 = tpu.memref_squeeze %dma_wait3A_91 : memref<1x40x128xi32, #tpu.memory_space<vmem>> -> memref<40x128xi32, #tpu.memory_space<vmem>>
      %dma_wait3A_93 = arith.constant 0 : i32
      %dma_wait3A_94 = arith.constant 0 : i32
      %dma_wait3A_95 = tpu.memref_slice %arg3[%run_scoped3A, %add3A, %dma_wait3A_93, %dma_wait3A_94] : memref<2x32x79x128xi32, #tpu.memory_space<hbm>> -> memref<1x1x40x128xi32, #tpu.memory_space<hbm>>
      %dma_wait3A_96 = tpu.memref_squeeze %dma_wait3A_95 : memref<1x1x40x128xi32, #tpu.memory_space<hbm>> -> memref<40x128xi32, #tpu.memory_space<hbm>>
      %dma_wait3A_97 = arith.constant 0 : i32
      %dma_wait3A_98 = arith.constant 0 : i32
      %dma_wait3A_99 = tpu.memref_slice %arg7[%run_scoped3A_5, %dma_wait3A_97, %dma_wait3A_98] : memref<2x40x128xi32, #tpu.memory_space<vmem>> -> memref<1x40x128xi32, #tpu.memory_space<vmem>>
      %dma_wait3A_100 = tpu.memref_squeeze %dma_wait3A_99 : memref<1x40x128xi32, #tpu.memory_space<vmem>> -> memref<40x128xi32, #tpu.memory_space<vmem>>
      %dma_wait3A_101 = arith.constant 0 : i32
      %dma_wait3A_102 = arith.constant 0 : i32
      %dma_wait3A_103 = tpu.memref_slice %arg3[%run_scoped3A, %add3A, %dma_wait3A_101, %dma_wait3A_102] : memref<2x32x79x128xi32, #tpu.memory_space<hbm>> -> memref<1x1x40x128xi32, #tpu.memory_space<hbm>>
      %dma_wait3A_104 = tpu.memref_squeeze %dma_wait3A_103 : memref<1x1x40x128xi32, #tpu.memory_space<hbm>> -> memref<40x128xi32, #tpu.memory_space<hbm>>
      tpu.wait_dma2 semaphore(%run_scoped3A_72 : memref<!tpu.dma_semaphore, #tpu.memory_space<semaphore_mem>>) src(%dma_wait3A_104 : memref<40x128xi32, #tpu.memory_space<hbm>>) dst(%dma_wait3A_100 : memref<40x128xi32, #tpu.memory_space<vmem>>)
      tpu.yield
    }) : () -> ()
    %run_scoped3A_6 = arith.constant 1 : i32
    %run_scoped3A_7 = arith.constant 1 : i32
    "tpu.region"() ({
      %run_scoped3A_72 = tpu.sem_alloc : memref<!tpu.dma_semaphore, #tpu.memory_space<semaphore_mem>>
      %dma_start3A_73 = arith.constant 0 : i32
      %dma_start3A_74 = arith.constant 0 : i32
      %dma_start3A_75 = tpu.memref_slice %arg7[%run_scoped3A_7, %dma_start3A_73, %dma_start3A_74] : memref<2x40x128xi32, #tpu.memory_space<vmem>> -> memref<1x40x128xi32, #tpu.memory_space<vmem>>
      %dma_start3A_76 = tpu.memref_squeeze %dma_start3A_75 : memref<1x40x128xi32, #tpu.memory_space<vmem>> -> memref<40x128xi32, #tpu.memory_space<vmem>>
      %dma_start3A_77 = arith.constant 0 : i32
      %dma_start3A_78 = arith.constant 0 : i32
      %dma_start3A_79 = tpu.memref_slice %arg3[%run_scoped3A_6, %add3A, %dma_start3A_77, %dma_start3A_78] : memref<2x32x79x128xi32, #tpu.memory_space<hbm>> -> memref<1x1x40x128xi32, #tpu.memory_space<hbm>>
      %dma_start3A_80 = tpu.memref_squeeze %dma_start3A_79 : memref<1x1x40x128xi32, #tpu.memory_space<hbm>> -> memref<40x128xi32, #tpu.memory_space<hbm>>
      %dma_start3A_81 = arith.constant 0 : i32
      %dma_start3A_82 = arith.constant 0 : i32
      %dma_start3A_83 = tpu.memref_slice %arg7[%run_scoped3A_7, %dma_start3A_81, %dma_start3A_82] : memref<2x40x128xi32, #tpu.memory_space<vmem>> -> memref<1x40x128xi32, #tpu.memory_space<vmem>>
      %dma_start3A_84 = tpu.memref_squeeze %dma_start3A_83 : memref<1x40x128xi32, #tpu.memory_space<vmem>> -> memref<40x128xi32, #tpu.memory_space<vmem>>
      %dma_start3A_85 = arith.constant 0 : i32
      %dma_start3A_86 = arith.constant 0 : i32
      %dma_start3A_87 = tpu.memref_slice %arg3[%run_scoped3A_6, %add3A, %dma_start3A_85, %dma_start3A_86] : memref<2x32x79x128xi32, #tpu.memory_space<hbm>> -> memref<1x1x40x128xi32, #tpu.memory_space<hbm>>
      %dma_start3A_88 = tpu.memref_squeeze %dma_start3A_87 : memref<1x1x40x128xi32, #tpu.memory_space<hbm>> -> memref<40x128xi32, #tpu.memory_space<hbm>>
      tpu.enqueue_dma source(%dma_start3A_88 : memref<40x128xi32, #tpu.memory_space<hbm>>) target(%dma_start3A_84 : memref<40x128xi32, #tpu.memory_space<vmem>>) target_semaphore(%run_scoped3A_72 : memref<!tpu.dma_semaphore, #tpu.memory_space<semaphore_mem>>)
      %dma_wait3A_89 = arith.constant 0 : i32
      %dma_wait3A_90 = arith.constant 0 : i32
      %dma_wait3A_91 = tpu.memref_slice %arg7[%run_scoped3A_7, %dma_wait3A_89, %dma_wait3A_90] : memref<2x40x128xi32, #tpu.memory_space<vmem>> -> memref<1x40x128xi32, #tpu.memory_space<vmem>>
      %dma_wait3A_92 = tpu.memref_squeeze %dma_wait3A_91 : memref<1x40x128xi32, #tpu.memory_space<vmem>> -> memref<40x128xi32, #tpu.memory_space<vmem>>
      %dma_wait3A_93 = arith.constant 0 : i32
      %dma_wait3A_94 = arith.constant 0 : i32
      %dma_wait3A_95 = tpu.memref_slice %arg3[%run_scoped3A_6, %add3A, %dma_wait3A_93, %dma_wait3A_94] : memref<2x32x79x128xi32, #tpu.memory_space<hbm>> -> memref<1x1x40x128xi32, #tpu.memory_space<hbm>>
      %dma_wait3A_96 = tpu.memref_squeeze %dma_wait3A_95 : memref<1x1x40x128xi32, #tpu.memory_space<hbm>> -> memref<40x128xi32, #tpu.memory_space<hbm>>
      %dma_wait3A_97 = arith.constant 0 : i32
      %dma_wait3A_98 = arith.constant 0 : i32
      %dma_wait3A_99 = tpu.memref_slice %arg7[%run_scoped3A_7, %dma_wait3A_97, %dma_wait3A_98] : memref<2x40x128xi32, #tpu.memory_space<vmem>> -> memref<1x40x128xi32, #tpu.memory_space<vmem>>
      %dma_wait3A_100 = tpu.memref_squeeze %dma_wait3A_99 : memref<1x40x128xi32, #tpu.memory_space<vmem>> -> memref<40x128xi32, #tpu.memory_space<vmem>>
      %dma_wait3A_101 = arith.constant 0 : i32
      %dma_wait3A_102 = arith.constant 0 : i32
      %dma_wait3A_103 = tpu.memref_slice %arg3[%run_scoped3A_6, %add3A, %dma_wait3A_101, %dma_wait3A_102] : memref<2x32x79x128xi32, #tpu.memory_space<hbm>> -> memref<1x1x40x128xi32, #tpu.memory_space<hbm>>
      %dma_wait3A_104 = tpu.memref_squeeze %dma_wait3A_103 : memref<1x1x40x128xi32, #tpu.memory_space<hbm>> -> memref<40x128xi32, #tpu.memory_space<hbm>>
      tpu.wait_dma2 semaphore(%run_scoped3A_72 : memref<!tpu.dma_semaphore, #tpu.memory_space<semaphore_mem>>) src(%dma_wait3A_104 : memref<40x128xi32, #tpu.memory_space<hbm>>) dst(%dma_wait3A_100 : memref<40x128xi32, #tpu.memory_space<vmem>>)
      tpu.yield
    }) : () -> ()
    %barrier3A = arith.constant 0 : index
    tpu.barrier barrier_id(%barrier3A)
    %dma_start3A = arith.constant 0 : i32
    %dma_start3A_8 = arith.constant 0 : i32
    %dma_start3A_9 = arith.constant 0 : i32
    %dma_start3A_10 = tpu.memref_slice %arg7[%dma_start3A, %dma_start3A_8, %dma_start3A_9] : memref<2x40x128xi32, #tpu.memory_space<vmem>> -> memref<1x1x128xi32, #tpu.memory_space<vmem>>
    %dma_start3A_11 = tpu.memref_squeeze %dma_start3A_10 : memref<1x1x128xi32, #tpu.memory_space<vmem>> -> memref<128xi32, #tpu.memory_space<vmem>>
    %dma_start3A_12 = arith.constant 0 : i32
    %dma_start3A_13 = arith.constant 0 : i32
    %dma_start3A_14 = tpu.memref_slice %arg2[%dma_start3A_12, %dma_start3A_13] : memref<10000x128xf32, #tpu.memory_space<hbm>> -> memref<10000x128xf32, #tpu.memory_space<hbm>>
    tpu.enqueue_indirect_dma source(%dma_start3A_14 : memref<10000x128xf32, #tpu.memory_space<hbm>>) target(%arg8 : memref<128x128xf32, #tpu.memory_space<vmem>>) offsets(%dma_start3A_11 : memref<128xi32, #tpu.memory_space<vmem>>) semaphore(%arg10 : memref<!tpu.dma_semaphore, #tpu.memory_space<semaphore_mem>>)
    %scan3A = arith.constant 0 : i32
    %scan3A_15 = arith.constant 0 : i32
    %scan3A_16 = arith.constant 20 : i32
    %scan3A_17 = arith.addi %scan3A_15, %scan3A_16 : i32
    %scan3A_18 = arith.constant 1 : i32
    scf.for %scan3A_72 = %scan3A_15 to %scan3A_17 step %scan3A_18  : i32 {
      %mul3A_73 = arith.constant 2 : i32
      %mul3A_74 = arith.muli %mul3A_73, %scan3A_72 : i32
      %dma_wait3A_75 = arith.constant 0 : i32
      %dma_wait3A_76 = arith.constant 0 : i32
      %dma_wait3A_77 = tpu.memref_slice %arg2[%dma_wait3A_75, %dma_wait3A_76] : memref<10000x128xf32, #tpu.memory_space<hbm>> -> memref<128x128xf32, #tpu.memory_space<hbm>>
      %dma_wait3A_78 = arith.constant 0 : i32
      %dma_wait3A_79 = arith.constant 0 : i32
      %dma_wait3A_80 = tpu.memref_slice %arg2[%dma_wait3A_78, %dma_wait3A_79] : memref<10000x128xf32, #tpu.memory_space<hbm>> -> memref<128x128xf32, #tpu.memory_space<hbm>>
      tpu.wait_dma2 semaphore(%arg10 : memref<!tpu.dma_semaphore, #tpu.memory_space<semaphore_mem>>) src(%dma_wait3A_80 : memref<128x128xf32, #tpu.memory_space<hbm>>) dst(%arg8 : memref<128x128xf32, #tpu.memory_space<vmem>>)
      %gt3A = arith.constant 0 : i32
      %gt3A_81 = arith.cmpi sgt, %scan3A_72, %gt3A : i32
      %convert_element_type3A_82 = arith.extui %gt3A_81 : i1 to i32
      %cond3A_83 = arith.constant 0 : i32
      %cond3A_84 = arith.cmpi ne, %convert_element_type3A_82, %cond3A_83 : i32
      scf.if %cond3A_84 {
        %dma_wait3A_129 = arith.constant 0 : i32
        %dma_wait3A_130 = arith.constant 0 : i32
        %dma_wait3A_131 = tpu.memref_slice %arg6[%dma_wait3A_129, %dma_wait3A_130] : memref<10240x128xf32, #tpu.memory_space<vmem_shared>> -> memref<128x128xf32, #tpu.memory_space<vmem_shared>>
        %dma_wait3A_132 = arith.constant 0 : i32
        %dma_wait3A_133 = arith.constant 0 : i32
        %dma_wait3A_134 = tpu.memref_slice %arg6[%dma_wait3A_132, %dma_wait3A_133] : memref<10240x128xf32, #tpu.memory_space<vmem_shared>> -> memref<128x128xf32, #tpu.memory_space<vmem_shared>>
        tpu.wait_dma2 semaphore(%arg11 : memref<!tpu.dma_semaphore, #tpu.memory_space<semaphore_mem>>) src(%arg8 : memref<128x128xf32, #tpu.memory_space<vmem>>) dst(%dma_wait3A_134 : memref<128x128xf32, #tpu.memory_space<vmem_shared>>)
      } else {
      }
      %dma_start3A_85 = arith.constant 1 : i32
      %dma_start3A_86 = arith.constant 0 : i32
      %dma_start3A_87 = tpu.memref_slice %arg7[%dma_start3A_85, %mul3A_74, %dma_start3A_86] : memref<2x40x128xi32, #tpu.memory_space<vmem>> -> memref<1x1x128xi32, #tpu.memory_space<vmem>>
      %dma_start3A_88 = tpu.memref_squeeze %dma_start3A_87 : memref<1x1x128xi32, #tpu.memory_space<vmem>> -> memref<128xi32, #tpu.memory_space<vmem>>
      %dma_start3A_89 = arith.constant 0 : i32
      %dma_start3A_90 = arith.constant 0 : i32
      %dma_start3A_91 = tpu.memref_slice %arg6[%dma_start3A_89, %dma_start3A_90] : memref<10240x128xf32, #tpu.memory_space<vmem_shared>> -> memref<10240x128xf32, #tpu.memory_space<vmem_shared>>
      tpu.enqueue_indirect_dma source(%arg8 : memref<128x128xf32, #tpu.memory_space<vmem>>) target(%dma_start3A_91 : memref<10240x128xf32, #tpu.memory_space<vmem_shared>>) offsets(%dma_start3A_88 : memref<128xi32, #tpu.memory_space<vmem>>) semaphore(%arg11 : memref<!tpu.dma_semaphore, #tpu.memory_space<semaphore_mem>>) {add = true}
      %add3A_92 = arith.constant 1 : i32
      %add3A_93 = arith.addi %mul3A_74, %add3A_92 : i32
      %dma_start3A_94 = arith.constant 0 : i32
      %dma_start3A_95 = arith.constant 0 : i32
      %dma_start3A_96 = tpu.memref_slice %arg7[%dma_start3A_94, %add3A_93, %dma_start3A_95] : memref<2x40x128xi32, #tpu.memory_space<vmem>> -> memref<1x1x128xi32, #tpu.memory_space<vmem>>
      %dma_start3A_97 = tpu.memref_squeeze %dma_start3A_96 : memref<1x1x128xi32, #tpu.memory_space<vmem>> -> memref<128xi32, #tpu.memory_space<vmem>>
      %dma_start3A_98 = arith.constant 0 : i32
      %dma_start3A_99 = arith.constant 0 : i32
      %dma_start3A_100 = tpu.memref_slice %arg2[%dma_start3A_98, %dma_start3A_99] : memref<10000x128xf32, #tpu.memory_space<hbm>> -> memref<10000x128xf32, #tpu.memory_space<hbm>>
      tpu.enqueue_indirect_dma source(%dma_start3A_100 : memref<10000x128xf32, #tpu.memory_space<hbm>>) target(%arg9 : memref<128x128xf32, #tpu.memory_space<vmem>>) offsets(%dma_start3A_97 : memref<128xi32, #tpu.memory_space<vmem>>) semaphore(%arg10 : memref<!tpu.dma_semaphore, #tpu.memory_space<semaphore_mem>>)
      %dma_wait3A_101 = arith.constant 0 : i32
      %dma_wait3A_102 = arith.constant 0 : i32
      %dma_wait3A_103 = tpu.memref_slice %arg2[%dma_wait3A_101, %dma_wait3A_102] : memref<10000x128xf32, #tpu.memory_space<hbm>> -> memref<128x128xf32, #tpu.memory_space<hbm>>
      %dma_wait3A_104 = arith.constant 0 : i32
      %dma_wait3A_105 = arith.constant 0 : i32
      %dma_wait3A_106 = tpu.memref_slice %arg2[%dma_wait3A_104, %dma_wait3A_105] : memref<10000x128xf32, #tpu.memory_space<hbm>> -> memref<128x128xf32, #tpu.memory_space<hbm>>
      tpu.wait_dma2 semaphore(%arg10 : memref<!tpu.dma_semaphore, #tpu.memory_space<semaphore_mem>>) src(%dma_wait3A_106 : memref<128x128xf32, #tpu.memory_space<hbm>>) dst(%arg8 : memref<128x128xf32, #tpu.memory_space<vmem>>)
      %dma_wait3A_107 = arith.constant 0 : i32
      %dma_wait3A_108 = arith.constant 0 : i32
      %dma_wait3A_109 = tpu.memref_slice %arg6[%dma_wait3A_107, %dma_wait3A_108] : memref<10240x128xf32, #tpu.memory_space<vmem_shared>> -> memref<128x128xf32, #tpu.memory_space<vmem_shared>>
      %dma_wait3A_110 = arith.constant 0 : i32
      %dma_wait3A_111 = arith.constant 0 : i32
      %dma_wait3A_112 = tpu.memref_slice %arg6[%dma_wait3A_110, %dma_wait3A_111] : memref<10240x128xf32, #tpu.memory_space<vmem_shared>> -> memref<128x128xf32, #tpu.memory_space<vmem_shared>>
      tpu.wait_dma2 semaphore(%arg11 : memref<!tpu.dma_semaphore, #tpu.memory_space<semaphore_mem>>) src(%arg8 : memref<128x128xf32, #tpu.memory_space<vmem>>) dst(%dma_wait3A_112 : memref<128x128xf32, #tpu.memory_space<vmem_shared>>)
      %add3A_113 = arith.constant 1 : i32
      %add3A_114 = arith.addi %mul3A_74, %add3A_113 : i32
      %dma_start3A_115 = arith.constant 1 : i32
      %dma_start3A_116 = arith.constant 0 : i32
      %dma_start3A_117 = tpu.memref_slice %arg7[%dma_start3A_115, %add3A_114, %dma_start3A_116] : memref<2x40x128xi32, #tpu.memory_space<vmem>> -> memref<1x1x128xi32, #tpu.memory_space<vmem>>
      %dma_start3A_118 = tpu.memref_squeeze %dma_start3A_117 : memref<1x1x128xi32, #tpu.memory_space<vmem>> -> memref<128xi32, #tpu.memory_space<vmem>>
      %dma_start3A_119 = arith.constant 0 : i32
      %dma_start3A_120 = arith.constant 0 : i32
      %dma_start3A_121 = tpu.memref_slice %arg6[%dma_start3A_119, %dma_start3A_120] : memref<10240x128xf32, #tpu.memory_space<vmem_shared>> -> memref<10240x128xf32, #tpu.memory_space<vmem_shared>>
      tpu.enqueue_indirect_dma source(%arg9 : memref<128x128xf32, #tpu.memory_space<vmem>>) target(%dma_start3A_121 : memref<10240x128xf32, #tpu.memory_space<vmem_shared>>) offsets(%dma_start3A_118 : memref<128xi32, #tpu.memory_space<vmem>>) semaphore(%arg11 : memref<!tpu.dma_semaphore, #tpu.memory_space<semaphore_mem>>) {add = true}
      %add3A_122 = arith.constant 2 : i32
      %add3A_123 = arith.addi %mul3A_74, %add3A_122 : i32
      %lt3A_124 = arith.constant 40 : i32
      %lt3A_125 = arith.cmpi slt, %add3A_123, %lt3A_124 : i32
      %convert_element_type3A_126 = arith.extui %lt3A_125 : i1 to i32
      %cond3A_127 = arith.constant 0 : i32
      %cond3A_128 = arith.cmpi ne, %convert_element_type3A_126, %cond3A_127 : i32
      scf.if %cond3A_128 {
        %add3A_129 = arith.constant 2 : i32
        %add3A_130 = arith.addi %mul3A_74, %add3A_129 : i32
        %dma_start3A_131 = arith.constant 0 : i32
        %dma_start3A_132 = arith.constant 0 : i32
        %dma_start3A_133 = tpu.memref_slice %arg7[%dma_start3A_131, %add3A_130, %dma_start3A_132] : memref<2x40x128xi32, #tpu.memory_space<vmem>> -> memref<1x1x128xi32, #tpu.memory_space<vmem>>
        %dma_start3A_134 = tpu.memref_squeeze %dma_start3A_133 : memref<1x1x128xi32, #tpu.memory_space<vmem>> -> memref<128xi32, #tpu.memory_space<vmem>>
        %dma_start3A_135 = arith.constant 0 : i32
        %dma_start3A_136 = arith.constant 0 : i32
        %dma_start3A_137 = tpu.memref_slice %arg2[%dma_start3A_135, %dma_start3A_136] : memref<10000x128xf32, #tpu.memory_space<hbm>> -> memref<10000x128xf32, #tpu.memory_space<hbm>>
        tpu.enqueue_indirect_dma source(%dma_start3A_137 : memref<10000x128xf32, #tpu.memory_space<hbm>>) target(%arg8 : memref<128x128xf32, #tpu.memory_space<vmem>>) offsets(%dma_start3A_134 : memref<128xi32, #tpu.memory_space<vmem>>) semaphore(%arg10 : memref<!tpu.dma_semaphore, #tpu.memory_space<semaphore_mem>>)
      } else {
      }
    }
    %scan3A_19 = arith.constant 20 : i32
    %dma_wait3A = arith.constant 0 : i32
    %dma_wait3A_20 = arith.constant 0 : i32
    %dma_wait3A_21 = tpu.memref_slice %arg6[%dma_wait3A, %dma_wait3A_20] : memref<10240x128xf32, #tpu.memory_space<vmem_shared>> -> memref<128x128xf32, #tpu.memory_space<vmem_shared>>
    %dma_wait3A_22 = arith.constant 0 : i32
    %dma_wait3A_23 = arith.constant 0 : i32
    %dma_wait3A_24 = tpu.memref_slice %arg6[%dma_wait3A_22, %dma_wait3A_23] : memref<10240x128xf32, #tpu.memory_space<vmem_shared>> -> memref<128x128xf32, #tpu.memory_space<vmem_shared>>
    tpu.wait_dma2 semaphore(%arg11 : memref<!tpu.dma_semaphore, #tpu.memory_space<semaphore_mem>>) src(%arg8 : memref<128x128xf32, #tpu.memory_space<vmem>>) dst(%dma_wait3A_24 : memref<128x128xf32, #tpu.memory_space<vmem_shared>>)
    %run_scoped3A_25 = arith.constant 0 : i32
    %run_scoped3A_26 = arith.constant 0 : i32
    "tpu.region"() ({
      %run_scoped3A_72 = tpu.sem_alloc : memref<!tpu.dma_semaphore, #tpu.memory_space<semaphore_mem>>
      %dma_start3A_73 = arith.constant 0 : i32
      %dma_start3A_74 = arith.constant 0 : i32
      %dma_start3A_75 = tpu.memref_slice %arg7[%run_scoped3A_26, %dma_start3A_73, %dma_start3A_74] : memref<2x40x128xi32, #tpu.memory_space<vmem>> -> memref<1x39x128xi32, #tpu.memory_space<vmem>>
      %dma_start3A_76 = tpu.memref_squeeze %dma_start3A_75 : memref<1x39x128xi32, #tpu.memory_space<vmem>> -> memref<39x128xi32, #tpu.memory_space<vmem>>
      %dma_start3A_77 = arith.constant 40 : i32
      %dma_start3A_78 = arith.constant 0 : i32
      %dma_start3A_79 = tpu.memref_slice %arg3[%run_scoped3A_25, %add3A, %dma_start3A_77, %dma_start3A_78] : memref<2x32x79x128xi32, #tpu.memory_space<hbm>> -> memref<1x1x39x128xi32, #tpu.memory_space<hbm>>
      %dma_start3A_80 = tpu.memref_squeeze %dma_start3A_79 : memref<1x1x39x128xi32, #tpu.memory_space<hbm>> -> memref<39x128xi32, #tpu.memory_space<hbm>>
      %dma_start3A_81 = arith.constant 0 : i32
      %dma_start3A_82 = arith.constant 0 : i32
      %dma_start3A_83 = tpu.memref_slice %arg7[%run_scoped3A_26, %dma_start3A_81, %dma_start3A_82] : memref<2x40x128xi32, #tpu.memory_space<vmem>> -> memref<1x39x128xi32, #tpu.memory_space<vmem>>
      %dma_start3A_84 = tpu.memref_squeeze %dma_start3A_83 : memref<1x39x128xi32, #tpu.memory_space<vmem>> -> memref<39x128xi32, #tpu.memory_space<vmem>>
      %dma_start3A_85 = arith.constant 40 : i32
      %dma_start3A_86 = arith.constant 0 : i32
      %dma_start3A_87 = tpu.memref_slice %arg3[%run_scoped3A_25, %add3A, %dma_start3A_85, %dma_start3A_86] : memref<2x32x79x128xi32, #tpu.memory_space<hbm>> -> memref<1x1x39x128xi32, #tpu.memory_space<hbm>>
      %dma_start3A_88 = tpu.memref_squeeze %dma_start3A_87 : memref<1x1x39x128xi32, #tpu.memory_space<hbm>> -> memref<39x128xi32, #tpu.memory_space<hbm>>
      tpu.enqueue_dma source(%dma_start3A_88 : memref<39x128xi32, #tpu.memory_space<hbm>>) target(%dma_start3A_84 : memref<39x128xi32, #tpu.memory_space<vmem>>) target_semaphore(%run_scoped3A_72 : memref<!tpu.dma_semaphore, #tpu.memory_space<semaphore_mem>>)
      %dma_wait3A_89 = arith.constant 0 : i32
      %dma_wait3A_90 = arith.constant 0 : i32
      %dma_wait3A_91 = tpu.memref_slice %arg7[%run_scoped3A_26, %dma_wait3A_89, %dma_wait3A_90] : memref<2x40x128xi32, #tpu.memory_space<vmem>> -> memref<1x39x128xi32, #tpu.memory_space<vmem>>
      %dma_wait3A_92 = tpu.memref_squeeze %dma_wait3A_91 : memref<1x39x128xi32, #tpu.memory_space<vmem>> -> memref<39x128xi32, #tpu.memory_space<vmem>>
      %dma_wait3A_93 = arith.constant 40 : i32
      %dma_wait3A_94 = arith.constant 0 : i32
      %dma_wait3A_95 = tpu.memref_slice %arg3[%run_scoped3A_25, %add3A, %dma_wait3A_93, %dma_wait3A_94] : memref<2x32x79x128xi32, #tpu.memory_space<hbm>> -> memref<1x1x39x128xi32, #tpu.memory_space<hbm>>
      %dma_wait3A_96 = tpu.memref_squeeze %dma_wait3A_95 : memref<1x1x39x128xi32, #tpu.memory_space<hbm>> -> memref<39x128xi32, #tpu.memory_space<hbm>>
      %dma_wait3A_97 = arith.constant 0 : i32
      %dma_wait3A_98 = arith.constant 0 : i32
      %dma_wait3A_99 = tpu.memref_slice %arg7[%run_scoped3A_26, %dma_wait3A_97, %dma_wait3A_98] : memref<2x40x128xi32, #tpu.memory_space<vmem>> -> memref<1x39x128xi32, #tpu.memory_space<vmem>>
      %dma_wait3A_100 = tpu.memref_squeeze %dma_wait3A_99 : memref<1x39x128xi32, #tpu.memory_space<vmem>> -> memref<39x128xi32, #tpu.memory_space<vmem>>
      %dma_wait3A_101 = arith.constant 40 : i32
      %dma_wait3A_102 = arith.constant 0 : i32
      %dma_wait3A_103 = tpu.memref_slice %arg3[%run_scoped3A_25, %add3A, %dma_wait3A_101, %dma_wait3A_102] : memref<2x32x79x128xi32, #tpu.memory_space<hbm>> -> memref<1x1x39x128xi32, #tpu.memory_space<hbm>>
      %dma_wait3A_104 = tpu.memref_squeeze %dma_wait3A_103 : memref<1x1x39x128xi32, #tpu.memory_space<hbm>> -> memref<39x128xi32, #tpu.memory_space<hbm>>
      tpu.wait_dma2 semaphore(%run_scoped3A_72 : memref<!tpu.dma_semaphore, #tpu.memory_space<semaphore_mem>>) src(%dma_wait3A_104 : memref<39x128xi32, #tpu.memory_space<hbm>>) dst(%dma_wait3A_100 : memref<39x128xi32, #tpu.memory_space<vmem>>)
      tpu.yield
    }) : () -> ()
    %run_scoped3A_27 = arith.constant 1 : i32
    %run_scoped3A_28 = arith.constant 1 : i32
    "tpu.region"() ({
      %run_scoped3A_72 = tpu.sem_alloc : memref<!tpu.dma_semaphore, #tpu.memory_space<semaphore_mem>>
      %dma_start3A_73 = arith.constant 0 : i32
      %dma_start3A_74 = arith.constant 0 : i32
      %dma_start3A_75 = tpu.memref_slice %arg7[%run_scoped3A_28, %dma_start3A_73, %dma_start3A_74] : memref<2x40x128xi32, #tpu.memory_space<vmem>> -> memref<1x39x128xi32, #tpu.memory_space<vmem>>
      %dma_start3A_76 = tpu.memref_squeeze %dma_start3A_75 : memref<1x39x128xi32, #tpu.memory_space<vmem>> -> memref<39x128xi32, #tpu.memory_space<vmem>>
      %dma_start3A_77 = arith.constant 40 : i32
      %dma_start3A_78 = arith.constant 0 : i32
      %dma_start3A_79 = tpu.memref_slice %arg3[%run_scoped3A_27, %add3A, %dma_start3A_77, %dma_start3A_78] : memref<2x32x79x128xi32, #tpu.memory_space<hbm>> -> memref<1x1x39x128xi32, #tpu.memory_space<hbm>>
      %dma_start3A_80 = tpu.memref_squeeze %dma_start3A_79 : memref<1x1x39x128xi32, #tpu.memory_space<hbm>> -> memref<39x128xi32, #tpu.memory_space<hbm>>
      %dma_start3A_81 = arith.constant 0 : i32
      %dma_start3A_82 = arith.constant 0 : i32
      %dma_start3A_83 = tpu.memref_slice %arg7[%run_scoped3A_28, %dma_start3A_81, %dma_start3A_82] : memref<2x40x128xi32, #tpu.memory_space<vmem>> -> memref<1x39x128xi32, #tpu.memory_space<vmem>>
      %dma_start3A_84 = tpu.memref_squeeze %dma_start3A_83 : memref<1x39x128xi32, #tpu.memory_space<vmem>> -> memref<39x128xi32, #tpu.memory_space<vmem>>
      %dma_start3A_85 = arith.constant 40 : i32
      %dma_start3A_86 = arith.constant 0 : i32
      %dma_start3A_87 = tpu.memref_slice %arg3[%run_scoped3A_27, %add3A, %dma_start3A_85, %dma_start3A_86] : memref<2x32x79x128xi32, #tpu.memory_space<hbm>> -> memref<1x1x39x128xi32, #tpu.memory_space<hbm>>
      %dma_start3A_88 = tpu.memref_squeeze %dma_start3A_87 : memref<1x1x39x128xi32, #tpu.memory_space<hbm>> -> memref<39x128xi32, #tpu.memory_space<hbm>>
      tpu.enqueue_dma source(%dma_start3A_88 : memref<39x128xi32, #tpu.memory_space<hbm>>) target(%dma_start3A_84 : memref<39x128xi32, #tpu.memory_space<vmem>>) target_semaphore(%run_scoped3A_72 : memref<!tpu.dma_semaphore, #tpu.memory_space<semaphore_mem>>)
      %dma_wait3A_89 = arith.constant 0 : i32
      %dma_wait3A_90 = arith.constant 0 : i32
      %dma_wait3A_91 = tpu.memref_slice %arg7[%run_scoped3A_28, %dma_wait3A_89, %dma_wait3A_90] : memref<2x40x128xi32, #tpu.memory_space<vmem>> -> memref<1x39x128xi32, #tpu.memory_space<vmem>>
      %dma_wait3A_92 = tpu.memref_squeeze %dma_wait3A_91 : memref<1x39x128xi32, #tpu.memory_space<vmem>> -> memref<39x128xi32, #tpu.memory_space<vmem>>
      %dma_wait3A_93 = arith.constant 40 : i32
      %dma_wait3A_94 = arith.constant 0 : i32
      %dma_wait3A_95 = tpu.memref_slice %arg3[%run_scoped3A_27, %add3A, %dma_wait3A_93, %dma_wait3A_94] : memref<2x32x79x128xi32, #tpu.memory_space<hbm>> -> memref<1x1x39x128xi32, #tpu.memory_space<hbm>>
      %dma_wait3A_96 = tpu.memref_squeeze %dma_wait3A_95 : memref<1x1x39x128xi32, #tpu.memory_space<hbm>> -> memref<39x128xi32, #tpu.memory_space<hbm>>
      %dma_wait3A_97 = arith.constant 0 : i32
      %dma_wait3A_98 = arith.constant 0 : i32
      %dma_wait3A_99 = tpu.memref_slice %arg7[%run_scoped3A_28, %dma_wait3A_97, %dma_wait3A_98] : memref<2x40x128xi32, #tpu.memory_space<vmem>> -> memref<1x39x128xi32, #tpu.memory_space<vmem>>
      %dma_wait3A_100 = tpu.memref_squeeze %dma_wait3A_99 : memref<1x39x128xi32, #tpu.memory_space<vmem>> -> memref<39x128xi32, #tpu.memory_space<vmem>>
      %dma_wait3A_101 = arith.constant 40 : i32
      %dma_wait3A_102 = arith.constant 0 : i32
      %dma_wait3A_103 = tpu.memref_slice %arg3[%run_scoped3A_27, %add3A, %dma_wait3A_101, %dma_wait3A_102] : memref<2x32x79x128xi32, #tpu.memory_space<hbm>> -> memref<1x1x39x128xi32, #tpu.memory_space<hbm>>
      %dma_wait3A_104 = tpu.memref_squeeze %dma_wait3A_103 : memref<1x1x39x128xi32, #tpu.memory_space<hbm>> -> memref<39x128xi32, #tpu.memory_space<hbm>>
      tpu.wait_dma2 semaphore(%run_scoped3A_72 : memref<!tpu.dma_semaphore, #tpu.memory_space<semaphore_mem>>) src(%dma_wait3A_104 : memref<39x128xi32, #tpu.memory_space<hbm>>) dst(%dma_wait3A_100 : memref<39x128xi32, #tpu.memory_space<vmem>>)
      tpu.yield
    }) : () -> ()
    %dma_start3A_29 = arith.constant 0 : i32
    %dma_start3A_30 = arith.constant 0 : i32
    %dma_start3A_31 = arith.constant 0 : i32
    %dma_start3A_32 = tpu.memref_slice %arg7[%dma_start3A_29, %dma_start3A_30, %dma_start3A_31] : memref<2x40x128xi32, #tpu.memory_space<vmem>> -> memref<1x1x128xi32, #tpu.memory_space<vmem>>
    %dma_start3A_33 = tpu.memref_squeeze %dma_start3A_32 : memref<1x1x128xi32, #tpu.memory_space<vmem>> -> memref<128xi32, #tpu.memory_space<vmem>>
    %dma_start3A_34 = arith.constant 0 : i32
    %dma_start3A_35 = arith.constant 0 : i32
    %dma_start3A_36 = tpu.memref_slice %arg2[%dma_start3A_34, %dma_start3A_35] : memref<10000x128xf32, #tpu.memory_space<hbm>> -> memref<10000x128xf32, #tpu.memory_space<hbm>>
    tpu.enqueue_indirect_dma source(%dma_start3A_36 : memref<10000x128xf32, #tpu.memory_space<hbm>>) target(%arg8 : memref<128x128xf32, #tpu.memory_space<vmem>>) offsets(%dma_start3A_33 : memref<128xi32, #tpu.memory_space<vmem>>) semaphore(%arg10 : memref<!tpu.dma_semaphore, #tpu.memory_space<semaphore_mem>>)
    %scan3A_37 = arith.constant 0 : i32
    %scan3A_38 = arith.constant 0 : i32
    %scan3A_39 = arith.constant 19 : i32
    %scan3A_40 = arith.addi %scan3A_38, %scan3A_39 : i32
    %scan3A_41 = arith.constant 1 : i32
    scf.for %scan3A_72 = %scan3A_38 to %scan3A_40 step %scan3A_41  : i32 {
      %mul3A_73 = arith.constant 2 : i32
      %mul3A_74 = arith.muli %mul3A_73, %scan3A_72 : i32
      %dma_wait3A_75 = arith.constant 0 : i32
      %dma_wait3A_76 = arith.constant 0 : i32
      %dma_wait3A_77 = tpu.memref_slice %arg2[%dma_wait3A_75, %dma_wait3A_76] : memref<10000x128xf32, #tpu.memory_space<hbm>> -> memref<128x128xf32, #tpu.memory_space<hbm>>
      %dma_wait3A_78 = arith.constant 0 : i32
      %dma_wait3A_79 = arith.constant 0 : i32
      %dma_wait3A_80 = tpu.memref_slice %arg2[%dma_wait3A_78, %dma_wait3A_79] : memref<10000x128xf32, #tpu.memory_space<hbm>> -> memref<128x128xf32, #tpu.memory_space<hbm>>
      tpu.wait_dma2 semaphore(%arg10 : memref<!tpu.dma_semaphore, #tpu.memory_space<semaphore_mem>>) src(%dma_wait3A_80 : memref<128x128xf32, #tpu.memory_space<hbm>>) dst(%arg8 : memref<128x128xf32, #tpu.memory_space<vmem>>)
      %gt3A = arith.constant 0 : i32
      %gt3A_81 = arith.cmpi sgt, %scan3A_72, %gt3A : i32
      %convert_element_type3A_82 = arith.extui %gt3A_81 : i1 to i32
      %cond3A_83 = arith.constant 0 : i32
      %cond3A_84 = arith.cmpi ne, %convert_element_type3A_82, %cond3A_83 : i32
      scf.if %cond3A_84 {
        %dma_wait3A_129 = arith.constant 0 : i32
        %dma_wait3A_130 = arith.constant 0 : i32
        %dma_wait3A_131 = tpu.memref_slice %arg6[%dma_wait3A_129, %dma_wait3A_130] : memref<10240x128xf32, #tpu.memory_space<vmem_shared>> -> memref<128x128xf32, #tpu.memory_space<vmem_shared>>
        %dma_wait3A_132 = arith.constant 0 : i32
        %dma_wait3A_133 = arith.constant 0 : i32
        %dma_wait3A_134 = tpu.memref_slice %arg6[%dma_wait3A_132, %dma_wait3A_133] : memref<10240x128xf32, #tpu.memory_space<vmem_shared>> -> memref<128x128xf32, #tpu.memory_space<vmem_shared>>
        tpu.wait_dma2 semaphore(%arg11 : memref<!tpu.dma_semaphore, #tpu.memory_space<semaphore_mem>>) src(%arg8 : memref<128x128xf32, #tpu.memory_space<vmem>>) dst(%dma_wait3A_134 : memref<128x128xf32, #tpu.memory_space<vmem_shared>>)
      } else {
      }
      %dma_start3A_85 = arith.constant 1 : i32
      %dma_start3A_86 = arith.constant 0 : i32
      %dma_start3A_87 = tpu.memref_slice %arg7[%dma_start3A_85, %mul3A_74, %dma_start3A_86] : memref<2x40x128xi32, #tpu.memory_space<vmem>> -> memref<1x1x128xi32, #tpu.memory_space<vmem>>
      %dma_start3A_88 = tpu.memref_squeeze %dma_start3A_87 : memref<1x1x128xi32, #tpu.memory_space<vmem>> -> memref<128xi32, #tpu.memory_space<vmem>>
      %dma_start3A_89 = arith.constant 0 : i32
      %dma_start3A_90 = arith.constant 0 : i32
      %dma_start3A_91 = tpu.memref_slice %arg6[%dma_start3A_89, %dma_start3A_90] : memref<10240x128xf32, #tpu.memory_space<vmem_shared>> -> memref<10240x128xf32, #tpu.memory_space<vmem_shared>>
      tpu.enqueue_indirect_dma source(%arg8 : memref<128x128xf32, #tpu.memory_space<vmem>>) target(%dma_start3A_91 : memref<10240x128xf32, #tpu.memory_space<vmem_shared>>) offsets(%dma_start3A_88 : memref<128xi32, #tpu.memory_space<vmem>>) semaphore(%arg11 : memref<!tpu.dma_semaphore, #tpu.memory_space<semaphore_mem>>) {add = true}
      %add3A_92 = arith.constant 1 : i32
      %add3A_93 = arith.addi %mul3A_74, %add3A_92 : i32
      %dma_start3A_94 = arith.constant 0 : i32
      %dma_start3A_95 = arith.constant 0 : i32
      %dma_start3A_96 = tpu.memref_slice %arg7[%dma_start3A_94, %add3A_93, %dma_start3A_95] : memref<2x40x128xi32, #tpu.memory_space<vmem>> -> memref<1x1x128xi32, #tpu.memory_space<vmem>>
      %dma_start3A_97 = tpu.memref_squeeze %dma_start3A_96 : memref<1x1x128xi32, #tpu.memory_space<vmem>> -> memref<128xi32, #tpu.memory_space<vmem>>
      %dma_start3A_98 = arith.constant 0 : i32
      %dma_start3A_99 = arith.constant 0 : i32
      %dma_start3A_100 = tpu.memref_slice %arg2[%dma_start3A_98, %dma_start3A_99] : memref<10000x128xf32, #tpu.memory_space<hbm>> -> memref<10000x128xf32, #tpu.memory_space<hbm>>
      tpu.enqueue_indirect_dma source(%dma_start3A_100 : memref<10000x128xf32, #tpu.memory_space<hbm>>) target(%arg9 : memref<128x128xf32, #tpu.memory_space<vmem>>) offsets(%dma_start3A_97 : memref<128xi32, #tpu.memory_space<vmem>>) semaphore(%arg10 : memref<!tpu.dma_semaphore, #tpu.memory_space<semaphore_mem>>)
      %dma_wait3A_101 = arith.constant 0 : i32
      %dma_wait3A_102 = arith.constant 0 : i32
      %dma_wait3A_103 = tpu.memref_slice %arg2[%dma_wait3A_101, %dma_wait3A_102] : memref<10000x128xf32, #tpu.memory_space<hbm>> -> memref<128x128xf32, #tpu.memory_space<hbm>>
      %dma_wait3A_104 = arith.constant 0 : i32
      %dma_wait3A_105 = arith.constant 0 : i32
      %dma_wait3A_106 = tpu.memref_slice %arg2[%dma_wait3A_104, %dma_wait3A_105] : memref<10000x128xf32, #tpu.memory_space<hbm>> -> memref<128x128xf32, #tpu.memory_space<hbm>>
      tpu.wait_dma2 semaphore(%arg10 : memref<!tpu.dma_semaphore, #tpu.memory_space<semaphore_mem>>) src(%dma_wait3A_106 : memref<128x128xf32, #tpu.memory_space<hbm>>) dst(%arg8 : memref<128x128xf32, #tpu.memory_space<vmem>>)
      %dma_wait3A_107 = arith.constant 0 : i32
      %dma_wait3A_108 = arith.constant 0 : i32
      %dma_wait3A_109 = tpu.memref_slice %arg6[%dma_wait3A_107, %dma_wait3A_108] : memref<10240x128xf32, #tpu.memory_space<vmem_shared>> -> memref<128x128xf32, #tpu.memory_space<vmem_shared>>
      %dma_wait3A_110 = arith.constant 0 : i32
      %dma_wait3A_111 = arith.constant 0 : i32
      %dma_wait3A_112 = tpu.memref_slice %arg6[%dma_wait3A_110, %dma_wait3A_111] : memref<10240x128xf32, #tpu.memory_space<vmem_shared>> -> memref<128x128xf32, #tpu.memory_space<vmem_shared>>
      tpu.wait_dma2 semaphore(%arg11 : memref<!tpu.dma_semaphore, #tpu.memory_space<semaphore_mem>>) src(%arg8 : memref<128x128xf32, #tpu.memory_space<vmem>>) dst(%dma_wait3A_112 : memref<128x128xf32, #tpu.memory_space<vmem_shared>>)
      %add3A_113 = arith.constant 1 : i32
      %add3A_114 = arith.addi %mul3A_74, %add3A_113 : i32
      %dma_start3A_115 = arith.constant 1 : i32
      %dma_start3A_116 = arith.constant 0 : i32
      %dma_start3A_117 = tpu.memref_slice %arg7[%dma_start3A_115, %add3A_114, %dma_start3A_116] : memref<2x40x128xi32, #tpu.memory_space<vmem>> -> memref<1x1x128xi32, #tpu.memory_space<vmem>>
      %dma_start3A_118 = tpu.memref_squeeze %dma_start3A_117 : memref<1x1x128xi32, #tpu.memory_space<vmem>> -> memref<128xi32, #tpu.memory_space<vmem>>
      %dma_start3A_119 = arith.constant 0 : i32
      %dma_start3A_120 = arith.constant 0 : i32
      %dma_start3A_121 = tpu.memref_slice %arg6[%dma_start3A_119, %dma_start3A_120] : memref<10240x128xf32, #tpu.memory_space<vmem_shared>> -> memref<10240x128xf32, #tpu.memory_space<vmem_shared>>
      tpu.enqueue_indirect_dma source(%arg9 : memref<128x128xf32, #tpu.memory_space<vmem>>) target(%dma_start3A_121 : memref<10240x128xf32, #tpu.memory_space<vmem_shared>>) offsets(%dma_start3A_118 : memref<128xi32, #tpu.memory_space<vmem>>) semaphore(%arg11 : memref<!tpu.dma_semaphore, #tpu.memory_space<semaphore_mem>>) {add = true}
      %add3A_122 = arith.constant 2 : i32
      %add3A_123 = arith.addi %mul3A_74, %add3A_122 : i32
      %lt3A_124 = arith.constant 39 : i32
      %lt3A_125 = arith.cmpi slt, %add3A_123, %lt3A_124 : i32
      %convert_element_type3A_126 = arith.extui %lt3A_125 : i1 to i32
      %cond3A_127 = arith.constant 0 : i32
      %cond3A_128 = arith.cmpi ne, %convert_element_type3A_126, %cond3A_127 : i32
      scf.if %cond3A_128 {
        %add3A_129 = arith.constant 2 : i32
        %add3A_130 = arith.addi %mul3A_74, %add3A_129 : i32
        %dma_start3A_131 = arith.constant 0 : i32
        %dma_start3A_132 = arith.constant 0 : i32
        %dma_start3A_133 = tpu.memref_slice %arg7[%dma_start3A_131, %add3A_130, %dma_start3A_132] : memref<2x40x128xi32, #tpu.memory_space<vmem>> -> memref<1x1x128xi32, #tpu.memory_space<vmem>>
        %dma_start3A_134 = tpu.memref_squeeze %dma_start3A_133 : memref<1x1x128xi32, #tpu.memory_space<vmem>> -> memref<128xi32, #tpu.memory_space<vmem>>
        %dma_start3A_135 = arith.constant 0 : i32
        %dma_start3A_136 = arith.constant 0 : i32
        %dma_start3A_137 = tpu.memref_slice %arg2[%dma_start3A_135, %dma_start3A_136] : memref<10000x128xf32, #tpu.memory_space<hbm>> -> memref<10000x128xf32, #tpu.memory_space<hbm>>
        tpu.enqueue_indirect_dma source(%dma_start3A_137 : memref<10000x128xf32, #tpu.memory_space<hbm>>) target(%arg8 : memref<128x128xf32, #tpu.memory_space<vmem>>) offsets(%dma_start3A_134 : memref<128xi32, #tpu.memory_space<vmem>>) semaphore(%arg10 : memref<!tpu.dma_semaphore, #tpu.memory_space<semaphore_mem>>)
      } else {
      }
    }
    %scan3A_42 = arith.constant 19 : i32
    %dma_wait3A_43 = arith.constant 0 : i32
    %dma_wait3A_44 = arith.constant 0 : i32
    %dma_wait3A_45 = tpu.memref_slice %arg2[%dma_wait3A_43, %dma_wait3A_44] : memref<10000x128xf32, #tpu.memory_space<hbm>> -> memref<128x128xf32, #tpu.memory_space<hbm>>
    %dma_wait3A_46 = arith.constant 0 : i32
    %dma_wait3A_47 = arith.constant 0 : i32
    %dma_wait3A_48 = tpu.memref_slice %arg2[%dma_wait3A_46, %dma_wait3A_47] : memref<10000x128xf32, #tpu.memory_space<hbm>> -> memref<128x128xf32, #tpu.memory_space<hbm>>
    tpu.wait_dma2 semaphore(%arg10 : memref<!tpu.dma_semaphore, #tpu.memory_space<semaphore_mem>>) src(%dma_wait3A_48 : memref<128x128xf32, #tpu.memory_space<hbm>>) dst(%arg8 : memref<128x128xf32, #tpu.memory_space<vmem>>)
    %dma_wait3A_49 = arith.constant 0 : i32
    %dma_wait3A_50 = arith.constant 0 : i32
    %dma_wait3A_51 = tpu.memref_slice %arg6[%dma_wait3A_49, %dma_wait3A_50] : memref<10240x128xf32, #tpu.memory_space<vmem_shared>> -> memref<128x128xf32, #tpu.memory_space<vmem_shared>>
    %dma_wait3A_52 = arith.constant 0 : i32
    %dma_wait3A_53 = arith.constant 0 : i32
    %dma_wait3A_54 = tpu.memref_slice %arg6[%dma_wait3A_52, %dma_wait3A_53] : memref<10240x128xf32, #tpu.memory_space<vmem_shared>> -> memref<128x128xf32, #tpu.memory_space<vmem_shared>>
    tpu.wait_dma2 semaphore(%arg11 : memref<!tpu.dma_semaphore, #tpu.memory_space<semaphore_mem>>) src(%arg8 : memref<128x128xf32, #tpu.memory_space<vmem>>) dst(%dma_wait3A_54 : memref<128x128xf32, #tpu.memory_space<vmem_shared>>)
    %dma_start3A_55 = arith.constant 1 : i32
    %dma_start3A_56 = arith.constant 38 : i32
    %dma_start3A_57 = arith.constant 0 : i32
    %dma_start3A_58 = tpu.memref_slice %arg7[%dma_start3A_55, %dma_start3A_56, %dma_start3A_57] : memref<2x40x128xi32, #tpu.memory_space<vmem>> -> memref<1x1x128xi32, #tpu.memory_space<vmem>>
    %dma_start3A_59 = tpu.memref_squeeze %dma_start3A_58 : memref<1x1x128xi32, #tpu.memory_space<vmem>> -> memref<128xi32, #tpu.memory_space<vmem>>
    %dma_start3A_60 = arith.constant 0 : i32
    %dma_start3A_61 = arith.constant 0 : i32
    %dma_start3A_62 = tpu.memref_slice %arg6[%dma_start3A_60, %dma_start3A_61] : memref<10240x128xf32, #tpu.memory_space<vmem_shared>> -> memref<10240x128xf32, #tpu.memory_space<vmem_shared>>
    tpu.enqueue_indirect_dma source(%arg8 : memref<128x128xf32, #tpu.memory_space<vmem>>) target(%dma_start3A_62 : memref<10240x128xf32, #tpu.memory_space<vmem_shared>>) offsets(%dma_start3A_59 : memref<128xi32, #tpu.memory_space<vmem>>) semaphore(%arg11 : memref<!tpu.dma_semaphore, #tpu.memory_space<semaphore_mem>>) {add = true}
    %dma_wait3A_63 = arith.constant 0 : i32
    %dma_wait3A_64 = arith.constant 0 : i32
    %dma_wait3A_65 = tpu.memref_slice %arg6[%dma_wait3A_63, %dma_wait3A_64] : memref<10240x128xf32, #tpu.memory_space<vmem_shared>> -> memref<128x128xf32, #tpu.memory_space<vmem_shared>>
    %dma_wait3A_66 = arith.constant 0 : i32
    %dma_wait3A_67 = arith.constant 0 : i32
    %dma_wait3A_68 = tpu.memref_slice %arg6[%dma_wait3A_66, %dma_wait3A_67] : memref<10240x128xf32, #tpu.memory_space<vmem_shared>> -> memref<128x128xf32, #tpu.memory_space<vmem_shared>>
    tpu.wait_dma2 semaphore(%arg11 : memref<!tpu.dma_semaphore, #tpu.memory_space<semaphore_mem>>) src(%arg8 : memref<128x128xf32, #tpu.memory_space<vmem>>) dst(%dma_wait3A_68 : memref<128x128xf32, #tpu.memory_space<vmem_shared>>)
    %barrier3A_69 = arith.constant 0 : index
    tpu.barrier barrier_id(%barrier3A_69)
    %lt3A = arith.constant 10 : i32
    %lt3A_70 = arith.cmpi slt, %arg1, %lt3A : i32
    %convert_element_type3A = arith.extui %lt3A_70 : i1 to i32
    %cond3A = arith.constant 0 : i32
    %cond3A_71 = arith.cmpi ne, %convert_element_type3A, %cond3A : i32
    scf.if %cond3A_71 {
      %mul3A_72 = arith.constant 1000 : i32
      %mul3A_73 = arith.muli %arg1, %mul3A_72 : i32
      %mul3A_74 = arith.constant 1000 : i32
      %mul3A_75 = arith.muli %arg1, %mul3A_74 : i32
      "tpu.region"() ({
        %run_scoped3A_76 = tpu.sem_alloc : memref<!tpu.dma_semaphore, #tpu.memory_space<semaphore_mem>>
        %dma_start3A_77 = arith.constant 0 : i32
        %dma_start3A_78 = tpu.memref_slice %arg5[%arg0, %mul3A_75, %dma_start3A_77] : memref<2x10000x128xf32, #tpu.memory_space<hbm>> -> memref<1x1000x128xf32, #tpu.memory_space<hbm>>
        %dma_start3A_79 = tpu.memref_squeeze %dma_start3A_78 : memref<1x1000x128xf32, #tpu.memory_space<hbm>> -> memref<1000x128xf32, #tpu.memory_space<hbm>>
        %dma_start3A_80 = arith.constant 0 : i32
        %dma_start3A_81 = tpu.memref_slice %arg6[%mul3A_73, %dma_start3A_80] : memref<10240x128xf32, #tpu.memory_space<vmem_shared>> -> memref<1000x128xf32, #tpu.memory_space<vmem_shared>>
        tpu.enqueue_dma source(%dma_start3A_81 : memref<1000x128xf32, #tpu.memory_space<vmem_shared>>) target(%dma_start3A_79 : memref<1000x128xf32, #tpu.memory_space<hbm>>) target_semaphore(%run_scoped3A_76 : memref<!tpu.dma_semaphore, #tpu.memory_space<semaphore_mem>>)
        %dma_wait3A_82 = arith.constant 0 : i32
        %dma_wait3A_83 = tpu.memref_slice %arg5[%arg0, %mul3A_75, %dma_wait3A_82] : memref<2x10000x128xf32, #tpu.memory_space<hbm>> -> memref<1x1000x128xf32, #tpu.memory_space<hbm>>
        %dma_wait3A_84 = tpu.memref_squeeze %dma_wait3A_83 : memref<1x1000x128xf32, #tpu.memory_space<hbm>> -> memref<1000x128xf32, #tpu.memory_space<hbm>>
        %dma_wait3A_85 = arith.constant 0 : i32
        %dma_wait3A_86 = tpu.memref_slice %arg6[%mul3A_73, %dma_wait3A_85] : memref<10240x128xf32, #tpu.memory_space<vmem_shared>> -> memref<1000x128xf32, #tpu.memory_space<vmem_shared>>
        tpu.wait_dma2 semaphore(%run_scoped3A_76 : memref<!tpu.dma_semaphore, #tpu.memory_space<semaphore_mem>>) src(%dma_wait3A_86 : memref<1000x128xf32, #tpu.memory_space<vmem_shared>>) dst(%dma_wait3A_84 : memref<1000x128xf32, #tpu.memory_space<hbm>>)
        tpu.yield
      }) : () -> ()
    } else {
    }
    return
  }
}

#map = affine_map<(d0, d1) -> (0, 0)>
#map1 = affine_map<(d0, d1) -> (0, 0, 0, 0)>
#map2 = affine_map<(d0, d1) -> (0, 0, 0)>
module attributes {stable_mosaic.version = 14 : i64} {
  func.func @_agg_kernel(%arg0: i32, %arg1: i32, %arg2: memref<10000x128xf32, #tpu.memory_space<hbm>>, %arg3: memref<2x32x79x128xi32, #tpu.memory_space<hbm>>, %arg4: memref<10240x128xf32, #tpu.memory_space<hbm>>, %arg5: memref<2x10000x128xf32, #tpu.memory_space<hbm>>, %arg6: memref<10240x128xf32, #tpu.memory_space<vmem_shared>>, %arg7: memref<2x40x128xi32, #tpu.memory_space<vmem>>, %arg8: memref<128x128xf32, #tpu.memory_space<vmem>>, %arg9: memref<128x128xf32, #tpu.memory_space<vmem>>, %arg10: memref<!tpu.dma_semaphore, #tpu.memory_space<semaphore_mem>>, %arg11: memref<!tpu.dma_semaphore, #tpu.memory_space<semaphore_mem>>) attributes {dimension_semantics = [#tpu.dimension_semantics<core_parallel>, #tpu.dimension_semantics<subcore_parallel>], iteration_bounds = array<i64: 2, 16>, scalar_prefetch = 0 : i64, scratch_operands = 6 : i64, tpu.core_type = #tpu.core_type<sc_vector_subcore>, window_params = [{transform_indices = #map}, {transform_indices = #map1}, {transform_indices = #map}, {transform_indices = #map2}]} {
    %mul3A = arith.constant 16 : i32
    %mul3A_0 = arith.muli %arg0, %mul3A : i32
    %add3A = arith.addi %mul3A_0, %arg1 : i32
    %mul3A_1 = arith.constant 640 : i32
    %mul3A_2 = arith.muli %arg1, %mul3A_1 : i32
    %mul3A_3 = arith.constant 640 : i32
    %mul3A_4 = arith.muli %arg1, %mul3A_3 : i32
    "tpu.region"() ({
      %run_scoped3A_72 = tpu.sem_alloc : memref<!tpu.dma_semaphore, #tpu.memory_space<semaphore_mem>>
      %dma_start3A_73 = arith.constant 0 : i32
      %dma_start3A_74 = tpu.memref_slice %arg6[%mul3A_4, %dma_start3A_73] : memref<10240x128xf32, #tpu.memory_space<vmem_shared>> -> memref<640x128xf32, #tpu.memory_space<vmem_shared>>
      %dma_start3A_75 = arith.constant 0 : i32
      %dma_start3A_76 = tpu.memref_slice %arg4[%mul3A_2, %dma_start3A_75] : memref<10240x128xf32, #tpu.memory_space<hbm>> -> memref<640x128xf32, #tpu.memory_space<hbm>>
      tpu.enqueue_dma source(%dma_start3A_76 : memref<640x128xf32, #tpu.memory_space<hbm>>) target(%dma_start3A_74 : memref<640x128xf32, #tpu.memory_space<vmem_shared>>) target_semaphore(%run_scoped3A_72 : memref<!tpu.dma_semaphore, #tpu.memory_space<semaphore_mem>>)
      %dma_wait3A_77 = arith.constant 0 : i32
      %dma_wait3A_78 = tpu.memref_slice %arg6[%mul3A_4, %dma_wait3A_77] : memref<10240x128xf32, #tpu.memory_space<vmem_shared>> -> memref<640x128xf32, #tpu.memory_space<vmem_shared>>
      %dma_wait3A_79 = arith.constant 0 : i32
      %dma_wait3A_80 = tpu.memref_slice %arg4[%mul3A_2, %dma_wait3A_79] : memref<10240x128xf32, #tpu.memory_space<hbm>> -> memref<640x128xf32, #tpu.memory_space<hbm>>
      tpu.wait_dma2 semaphore(%run_scoped3A_72 : memref<!tpu.dma_semaphore, #tpu.memory_space<semaphore_mem>>) src(%dma_wait3A_80 : memref<640x128xf32, #tpu.memory_space<hbm>>) dst(%dma_wait3A_78 : memref<640x128xf32, #tpu.memory_space<vmem_shared>>)
      tpu.yield
    }) : () -> ()
    %run_scoped3A = arith.constant 0 : i32
    %run_scoped3A_5 = arith.constant 0 : i32
    "tpu.region"() ({
      %run_scoped3A_72 = tpu.sem_alloc : memref<!tpu.dma_semaphore, #tpu.memory_space<semaphore_mem>>
      %dma_start3A_73 = arith.constant 0 : i32
      %dma_start3A_74 = arith.constant 0 : i32
      %dma_start3A_75 = tpu.memref_slice %arg7[%run_scoped3A_5, %dma_start3A_73, %dma_start3A_74] : memref<2x40x128xi32, #tpu.memory_space<vmem>> -> memref<1x40x128xi32, #tpu.memory_space<vmem>>
      %dma_start3A_76 = tpu.memref_squeeze %dma_start3A_75 : memref<1x40x128xi32, #tpu.memory_space<vmem>> -> memref<40x128xi32, #tpu.memory_space<vmem>>
      %dma_start3A_77 = arith.constant 0 : i32
      %dma_start3A_78 = arith.constant 0 : i32
      %dma_start3A_79 = tpu.memref_slice %arg3[%run_scoped3A, %add3A, %dma_start3A_77, %dma_start3A_78] : memref<2x32x79x128xi32, #tpu.memory_space<hbm>> -> memref<1x1x40x128xi32, #tpu.memory_space<hbm>>
      %dma_start3A_80 = tpu.memref_squeeze %dma_start3A_79 : memref<1x1x40x128xi32, #tpu.memory_space<hbm>> -> memref<40x128xi32, #tpu.memory_space<hbm>>
      %dma_start3A_81 = arith.constant 0 : i32
      %dma_start3A_82 = arith.constant 0 : i32
      %dma_start3A_83 = tpu.memref_slice %arg7[%run_scoped3A_5, %dma_start3A_81, %dma_start3A_82] : memref<2x40x128xi32, #tpu.memory_space<vmem>> -> memref<1x40x128xi32, #tpu.memory_space<vmem>>
      %dma_start3A_84 = tpu.memref_squeeze %dma_start3A_83 : memref<1x40x128xi32, #tpu.memory_space<vmem>> -> memref<40x128xi32, #tpu.memory_space<vmem>>
      %dma_start3A_85 = arith.constant 0 : i32
      %dma_start3A_86 = arith.constant 0 : i32
      %dma_start3A_87 = tpu.memref_slice %arg3[%run_scoped3A, %add3A, %dma_start3A_85, %dma_start3A_86] : memref<2x32x79x128xi32, #tpu.memory_space<hbm>> -> memref<1x1x40x128xi32, #tpu.memory_space<hbm>>
      %dma_start3A_88 = tpu.memref_squeeze %dma_start3A_87 : memref<1x1x40x128xi32, #tpu.memory_space<hbm>> -> memref<40x128xi32, #tpu.memory_space<hbm>>
      tpu.enqueue_dma source(%dma_start3A_88 : memref<40x128xi32, #tpu.memory_space<hbm>>) target(%dma_start3A_84 : memref<40x128xi32, #tpu.memory_space<vmem>>) target_semaphore(%run_scoped3A_72 : memref<!tpu.dma_semaphore, #tpu.memory_space<semaphore_mem>>)
      %dma_wait3A_89 = arith.constant 0 : i32
      %dma_wait3A_90 = arith.constant 0 : i32
      %dma_wait3A_91 = tpu.memref_slice %arg7[%run_scoped3A_5, %dma_wait3A_89, %dma_wait3A_90] : memref<2x40x128xi32, #tpu.memory_space<vmem>> -> memref<1x40x128xi32, #tpu.memory_space<vmem>>
      %dma_wait3A_92 = tpu.memref_squeeze %dma_wait3A_91 : memref<1x40x128xi32, #tpu.memory_space<vmem>> -> memref<40x128xi32, #tpu.memory_space<vmem>>
      %dma_wait3A_93 = arith.constant 0 : i32
      %dma_wait3A_94 = arith.constant 0 : i32
      %dma_wait3A_95 = tpu.memref_slice %arg3[%run_scoped3A, %add3A, %dma_wait3A_93, %dma_wait3A_94] : memref<2x32x79x128xi32, #tpu.memory_space<hbm>> -> memref<1x1x40x128xi32, #tpu.memory_space<hbm>>
      %dma_wait3A_96 = tpu.memref_squeeze %dma_wait3A_95 : memref<1x1x40x128xi32, #tpu.memory_space<hbm>> -> memref<40x128xi32, #tpu.memory_space<hbm>>
      %dma_wait3A_97 = arith.constant 0 : i32
      %dma_wait3A_98 = arith.constant 0 : i32
      %dma_wait3A_99 = tpu.memref_slice %arg7[%run_scoped3A_5, %dma_wait3A_97, %dma_wait3A_98] : memref<2x40x128xi32, #tpu.memory_space<vmem>> -> memref<1x40x128xi32, #tpu.memory_space<vmem>>
      %dma_wait3A_100 = tpu.memref_squeeze %dma_wait3A_99 : memref<1x40x128xi32, #tpu.memory_space<vmem>> -> memref<40x128xi32, #tpu.memory_space<vmem>>
      %dma_wait3A_101 = arith.constant 0 : i32
      %dma_wait3A_102 = arith.constant 0 : i32
      %dma_wait3A_103 = tpu.memref_slice %arg3[%run_scoped3A, %add3A, %dma_wait3A_101, %dma_wait3A_102] : memref<2x32x79x128xi32, #tpu.memory_space<hbm>> -> memref<1x1x40x128xi32, #tpu.memory_space<hbm>>
      %dma_wait3A_104 = tpu.memref_squeeze %dma_wait3A_103 : memref<1x1x40x128xi32, #tpu.memory_space<hbm>> -> memref<40x128xi32, #tpu.memory_space<hbm>>
      tpu.wait_dma2 semaphore(%run_scoped3A_72 : memref<!tpu.dma_semaphore, #tpu.memory_space<semaphore_mem>>) src(%dma_wait3A_104 : memref<40x128xi32, #tpu.memory_space<hbm>>) dst(%dma_wait3A_100 : memref<40x128xi32, #tpu.memory_space<vmem>>)
      tpu.yield
    }) : () -> ()
    %run_scoped3A_6 = arith.constant 1 : i32
    %run_scoped3A_7 = arith.constant 1 : i32
    "tpu.region"() ({
      %run_scoped3A_72 = tpu.sem_alloc : memref<!tpu.dma_semaphore, #tpu.memory_space<semaphore_mem>>
      %dma_start3A_73 = arith.constant 0 : i32
      %dma_start3A_74 = arith.constant 0 : i32
      %dma_start3A_75 = tpu.memref_slice %arg7[%run_scoped3A_7, %dma_start3A_73, %dma_start3A_74] : memref<2x40x128xi32, #tpu.memory_space<vmem>> -> memref<1x40x128xi32, #tpu.memory_space<vmem>>
      %dma_start3A_76 = tpu.memref_squeeze %dma_start3A_75 : memref<1x40x128xi32, #tpu.memory_space<vmem>> -> memref<40x128xi32, #tpu.memory_space<vmem>>
      %dma_start3A_77 = arith.constant 0 : i32
      %dma_start3A_78 = arith.constant 0 : i32
      %dma_start3A_79 = tpu.memref_slice %arg3[%run_scoped3A_6, %add3A, %dma_start3A_77, %dma_start3A_78] : memref<2x32x79x128xi32, #tpu.memory_space<hbm>> -> memref<1x1x40x128xi32, #tpu.memory_space<hbm>>
      %dma_start3A_80 = tpu.memref_squeeze %dma_start3A_79 : memref<1x1x40x128xi32, #tpu.memory_space<hbm>> -> memref<40x128xi32, #tpu.memory_space<hbm>>
      %dma_start3A_81 = arith.constant 0 : i32
      %dma_start3A_82 = arith.constant 0 : i32
      %dma_start3A_83 = tpu.memref_slice %arg7[%run_scoped3A_7, %dma_start3A_81, %dma_start3A_82] : memref<2x40x128xi32, #tpu.memory_space<vmem>> -> memref<1x40x128xi32, #tpu.memory_space<vmem>>
      %dma_start3A_84 = tpu.memref_squeeze %dma_start3A_83 : memref<1x40x128xi32, #tpu.memory_space<vmem>> -> memref<40x128xi32, #tpu.memory_space<vmem>>
      %dma_start3A_85 = arith.constant 0 : i32
      %dma_start3A_86 = arith.constant 0 : i32
      %dma_start3A_87 = tpu.memref_slice %arg3[%run_scoped3A_6, %add3A, %dma_start3A_85, %dma_start3A_86] : memref<2x32x79x128xi32, #tpu.memory_space<hbm>> -> memref<1x1x40x128xi32, #tpu.memory_space<hbm>>
      %dma_start3A_88 = tpu.memref_squeeze %dma_start3A_87 : memref<1x1x40x128xi32, #tpu.memory_space<hbm>> -> memref<40x128xi32, #tpu.memory_space<hbm>>
      tpu.enqueue_dma source(%dma_start3A_88 : memref<40x128xi32, #tpu.memory_space<hbm>>) target(%dma_start3A_84 : memref<40x128xi32, #tpu.memory_space<vmem>>) target_semaphore(%run_scoped3A_72 : memref<!tpu.dma_semaphore, #tpu.memory_space<semaphore_mem>>)
      %dma_wait3A_89 = arith.constant 0 : i32
      %dma_wait3A_90 = arith.constant 0 : i32
      %dma_wait3A_91 = tpu.memref_slice %arg7[%run_scoped3A_7, %dma_wait3A_89, %dma_wait3A_90] : memref<2x40x128xi32, #tpu.memory_space<vmem>> -> memref<1x40x128xi32, #tpu.memory_space<vmem>>
      %dma_wait3A_92 = tpu.memref_squeeze %dma_wait3A_91 : memref<1x40x128xi32, #tpu.memory_space<vmem>> -> memref<40x128xi32, #tpu.memory_space<vmem>>
      %dma_wait3A_93 = arith.constant 0 : i32
      %dma_wait3A_94 = arith.constant 0 : i32
      %dma_wait3A_95 = tpu.memref_slice %arg3[%run_scoped3A_6, %add3A, %dma_wait3A_93, %dma_wait3A_94] : memref<2x32x79x128xi32, #tpu.memory_space<hbm>> -> memref<1x1x40x128xi32, #tpu.memory_space<hbm>>
      %dma_wait3A_96 = tpu.memref_squeeze %dma_wait3A_95 : memref<1x1x40x128xi32, #tpu.memory_space<hbm>> -> memref<40x128xi32, #tpu.memory_space<hbm>>
      %dma_wait3A_97 = arith.constant 0 : i32
      %dma_wait3A_98 = arith.constant 0 : i32
      %dma_wait3A_99 = tpu.memref_slice %arg7[%run_scoped3A_7, %dma_wait3A_97, %dma_wait3A_98] : memref<2x40x128xi32, #tpu.memory_space<vmem>> -> memref<1x40x128xi32, #tpu.memory_space<vmem>>
      %dma_wait3A_100 = tpu.memref_squeeze %dma_wait3A_99 : memref<1x40x128xi32, #tpu.memory_space<vmem>> -> memref<40x128xi32, #tpu.memory_space<vmem>>
      %dma_wait3A_101 = arith.constant 0 : i32
      %dma_wait3A_102 = arith.constant 0 : i32
      %dma_wait3A_103 = tpu.memref_slice %arg3[%run_scoped3A_6, %add3A, %dma_wait3A_101, %dma_wait3A_102] : memref<2x32x79x128xi32, #tpu.memory_space<hbm>> -> memref<1x1x40x128xi32, #tpu.memory_space<hbm>>
      %dma_wait3A_104 = tpu.memref_squeeze %dma_wait3A_103 : memref<1x1x40x128xi32, #tpu.memory_space<hbm>> -> memref<40x128xi32, #tpu.memory_space<hbm>>
      tpu.wait_dma2 semaphore(%run_scoped3A_72 : memref<!tpu.dma_semaphore, #tpu.memory_space<semaphore_mem>>) src(%dma_wait3A_104 : memref<40x128xi32, #tpu.memory_space<hbm>>) dst(%dma_wait3A_100 : memref<40x128xi32, #tpu.memory_space<vmem>>)
      tpu.yield
    }) : () -> ()
    %barrier3A = arith.constant 0 : index
    tpu.barrier barrier_id(%barrier3A)
    %dma_start3A = arith.constant 0 : i32
    %dma_start3A_8 = arith.constant 0 : i32
    %dma_start3A_9 = arith.constant 0 : i32
    %dma_start3A_10 = tpu.memref_slice %arg7[%dma_start3A, %dma_start3A_8, %dma_start3A_9] : memref<2x40x128xi32, #tpu.memory_space<vmem>> -> memref<1x1x128xi32, #tpu.memory_space<vmem>>
    %dma_start3A_11 = tpu.memref_squeeze %dma_start3A_10 : memref<1x1x128xi32, #tpu.memory_space<vmem>> -> memref<128xi32, #tpu.memory_space<vmem>>
    %dma_start3A_12 = arith.constant 0 : i32
    %dma_start3A_13 = arith.constant 0 : i32
    %dma_start3A_14 = tpu.memref_slice %arg2[%dma_start3A_12, %dma_start3A_13] : memref<10000x128xf32, #tpu.memory_space<hbm>> -> memref<10000x128xf32, #tpu.memory_space<hbm>>
    tpu.enqueue_indirect_dma source(%dma_start3A_14 : memref<10000x128xf32, #tpu.memory_space<hbm>>) target(%arg8 : memref<128x128xf32, #tpu.memory_space<vmem>>) offsets(%dma_start3A_11 : memref<128xi32, #tpu.memory_space<vmem>>) semaphore(%arg10 : memref<!tpu.dma_semaphore, #tpu.memory_space<semaphore_mem>>)
    %scan3A = arith.constant 0 : i32
    %scan3A_15 = arith.constant 0 : i32
    %scan3A_16 = arith.constant 20 : i32
    %scan3A_17 = arith.addi %scan3A_15, %scan3A_16 : i32
    %scan3A_18 = arith.constant 1 : i32
    scf.for %scan3A_72 = %scan3A_15 to %scan3A_17 step %scan3A_18  : i32 {
      %mul3A_73 = arith.constant 2 : i32
      %mul3A_74 = arith.muli %mul3A_73, %scan3A_72 : i32
      %dma_wait3A_75 = arith.constant 0 : i32
      %dma_wait3A_76 = arith.constant 0 : i32
      %dma_wait3A_77 = tpu.memref_slice %arg2[%dma_wait3A_75, %dma_wait3A_76] : memref<10000x128xf32, #tpu.memory_space<hbm>> -> memref<128x128xf32, #tpu.memory_space<hbm>>
      %dma_wait3A_78 = arith.constant 0 : i32
      %dma_wait3A_79 = arith.constant 0 : i32
      %dma_wait3A_80 = tpu.memref_slice %arg2[%dma_wait3A_78, %dma_wait3A_79] : memref<10000x128xf32, #tpu.memory_space<hbm>> -> memref<128x128xf32, #tpu.memory_space<hbm>>
      tpu.wait_dma2 semaphore(%arg10 : memref<!tpu.dma_semaphore, #tpu.memory_space<semaphore_mem>>) src(%dma_wait3A_80 : memref<128x128xf32, #tpu.memory_space<hbm>>) dst(%arg8 : memref<128x128xf32, #tpu.memory_space<vmem>>)
      %gt3A = arith.constant 0 : i32
      %gt3A_81 = arith.cmpi sgt, %scan3A_72, %gt3A : i32
      %convert_element_type3A_82 = arith.extui %gt3A_81 : i1 to i32
      %cond3A_83 = arith.constant 0 : i32
      %cond3A_84 = arith.cmpi ne, %convert_element_type3A_82, %cond3A_83 : i32
      scf.if %cond3A_84 {
        %dma_wait3A_129 = arith.constant 0 : i32
        %dma_wait3A_130 = arith.constant 0 : i32
        %dma_wait3A_131 = tpu.memref_slice %arg6[%dma_wait3A_129, %dma_wait3A_130] : memref<10240x128xf32, #tpu.memory_space<vmem_shared>> -> memref<128x128xf32, #tpu.memory_space<vmem_shared>>
        %dma_wait3A_132 = arith.constant 0 : i32
        %dma_wait3A_133 = arith.constant 0 : i32
        %dma_wait3A_134 = tpu.memref_slice %arg6[%dma_wait3A_132, %dma_wait3A_133] : memref<10240x128xf32, #tpu.memory_space<vmem_shared>> -> memref<128x128xf32, #tpu.memory_space<vmem_shared>>
        tpu.wait_dma2 semaphore(%arg11 : memref<!tpu.dma_semaphore, #tpu.memory_space<semaphore_mem>>) src(%arg8 : memref<128x128xf32, #tpu.memory_space<vmem>>) dst(%dma_wait3A_134 : memref<128x128xf32, #tpu.memory_space<vmem_shared>>)
      } else {
      }
      %dma_start3A_85 = arith.constant 1 : i32
      %dma_start3A_86 = arith.constant 0 : i32
      %dma_start3A_87 = tpu.memref_slice %arg7[%dma_start3A_85, %mul3A_74, %dma_start3A_86] : memref<2x40x128xi32, #tpu.memory_space<vmem>> -> memref<1x1x128xi32, #tpu.memory_space<vmem>>
      %dma_start3A_88 = tpu.memref_squeeze %dma_start3A_87 : memref<1x1x128xi32, #tpu.memory_space<vmem>> -> memref<128xi32, #tpu.memory_space<vmem>>
      %dma_start3A_89 = arith.constant 0 : i32
      %dma_start3A_90 = arith.constant 0 : i32
      %dma_start3A_91 = tpu.memref_slice %arg6[%dma_start3A_89, %dma_start3A_90] : memref<10240x128xf32, #tpu.memory_space<vmem_shared>> -> memref<10240x128xf32, #tpu.memory_space<vmem_shared>>
      tpu.enqueue_indirect_dma source(%arg8 : memref<128x128xf32, #tpu.memory_space<vmem>>) target(%dma_start3A_91 : memref<10240x128xf32, #tpu.memory_space<vmem_shared>>) offsets(%dma_start3A_88 : memref<128xi32, #tpu.memory_space<vmem>>) semaphore(%arg11 : memref<!tpu.dma_semaphore, #tpu.memory_space<semaphore_mem>>) {add = true}
      %add3A_92 = arith.constant 1 : i32
      %add3A_93 = arith.addi %mul3A_74, %add3A_92 : i32
      %dma_start3A_94 = arith.constant 0 : i32
      %dma_start3A_95 = arith.constant 0 : i32
      %dma_start3A_96 = tpu.memref_slice %arg7[%dma_start3A_94, %add3A_93, %dma_start3A_95] : memref<2x40x128xi32, #tpu.memory_space<vmem>> -> memref<1x1x128xi32, #tpu.memory_space<vmem>>
      %dma_start3A_97 = tpu.memref_squeeze %dma_start3A_96 : memref<1x1x128xi32, #tpu.memory_space<vmem>> -> memref<128xi32, #tpu.memory_space<vmem>>
      %dma_start3A_98 = arith.constant 0 : i32
      %dma_start3A_99 = arith.constant 0 : i32
      %dma_start3A_100 = tpu.memref_slice %arg2[%dma_start3A_98, %dma_start3A_99] : memref<10000x128xf32, #tpu.memory_space<hbm>> -> memref<10000x128xf32, #tpu.memory_space<hbm>>
      tpu.enqueue_indirect_dma source(%dma_start3A_100 : memref<10000x128xf32, #tpu.memory_space<hbm>>) target(%arg9 : memref<128x128xf32, #tpu.memory_space<vmem>>) offsets(%dma_start3A_97 : memref<128xi32, #tpu.memory_space<vmem>>) semaphore(%arg10 : memref<!tpu.dma_semaphore, #tpu.memory_space<semaphore_mem>>)
      %dma_wait3A_101 = arith.constant 0 : i32
      %dma_wait3A_102 = arith.constant 0 : i32
      %dma_wait3A_103 = tpu.memref_slice %arg2[%dma_wait3A_101, %dma_wait3A_102] : memref<10000x128xf32, #tpu.memory_space<hbm>> -> memref<128x128xf32, #tpu.memory_space<hbm>>
      %dma_wait3A_104 = arith.constant 0 : i32
      %dma_wait3A_105 = arith.constant 0 : i32
      %dma_wait3A_106 = tpu.memref_slice %arg2[%dma_wait3A_104, %dma_wait3A_105] : memref<10000x128xf32, #tpu.memory_space<hbm>> -> memref<128x128xf32, #tpu.memory_space<hbm>>
      tpu.wait_dma2 semaphore(%arg10 : memref<!tpu.dma_semaphore, #tpu.memory_space<semaphore_mem>>) src(%dma_wait3A_106 : memref<128x128xf32, #tpu.memory_space<hbm>>) dst(%arg8 : memref<128x128xf32, #tpu.memory_space<vmem>>)
      %dma_wait3A_107 = arith.constant 0 : i32
      %dma_wait3A_108 = arith.constant 0 : i32
      %dma_wait3A_109 = tpu.memref_slice %arg6[%dma_wait3A_107, %dma_wait3A_108] : memref<10240x128xf32, #tpu.memory_space<vmem_shared>> -> memref<128x128xf32, #tpu.memory_space<vmem_shared>>
      %dma_wait3A_110 = arith.constant 0 : i32
      %dma_wait3A_111 = arith.constant 0 : i32
      %dma_wait3A_112 = tpu.memref_slice %arg6[%dma_wait3A_110, %dma_wait3A_111] : memref<10240x128xf32, #tpu.memory_space<vmem_shared>> -> memref<128x128xf32, #tpu.memory_space<vmem_shared>>
      tpu.wait_dma2 semaphore(%arg11 : memref<!tpu.dma_semaphore, #tpu.memory_space<semaphore_mem>>) src(%arg8 : memref<128x128xf32, #tpu.memory_space<vmem>>) dst(%dma_wait3A_112 : memref<128x128xf32, #tpu.memory_space<vmem_shared>>)
      %add3A_113 = arith.constant 1 : i32
      %add3A_114 = arith.addi %mul3A_74, %add3A_113 : i32
      %dma_start3A_115 = arith.constant 1 : i32
      %dma_start3A_116 = arith.constant 0 : i32
      %dma_start3A_117 = tpu.memref_slice %arg7[%dma_start3A_115, %add3A_114, %dma_start3A_116] : memref<2x40x128xi32, #tpu.memory_space<vmem>> -> memref<1x1x128xi32, #tpu.memory_space<vmem>>
      %dma_start3A_118 = tpu.memref_squeeze %dma_start3A_117 : memref<1x1x128xi32, #tpu.memory_space<vmem>> -> memref<128xi32, #tpu.memory_space<vmem>>
      %dma_start3A_119 = arith.constant 0 : i32
      %dma_start3A_120 = arith.constant 0 : i32
      %dma_start3A_121 = tpu.memref_slice %arg6[%dma_start3A_119, %dma_start3A_120] : memref<10240x128xf32, #tpu.memory_space<vmem_shared>> -> memref<10240x128xf32, #tpu.memory_space<vmem_shared>>
      tpu.enqueue_indirect_dma source(%arg9 : memref<128x128xf32, #tpu.memory_space<vmem>>) target(%dma_start3A_121 : memref<10240x128xf32, #tpu.memory_space<vmem_shared>>) offsets(%dma_start3A_118 : memref<128xi32, #tpu.memory_space<vmem>>) semaphore(%arg11 : memref<!tpu.dma_semaphore, #tpu.memory_space<semaphore_mem>>) {add = true}
      %add3A_122 = arith.constant 2 : i32
      %add3A_123 = arith.addi %mul3A_74, %add3A_122 : i32
      %lt3A_124 = arith.constant 40 : i32
      %lt3A_125 = arith.cmpi slt, %add3A_123, %lt3A_124 : i32
      %convert_element_type3A_126 = arith.extui %lt3A_125 : i1 to i32
      %cond3A_127 = arith.constant 0 : i32
      %cond3A_128 = arith.cmpi ne, %convert_element_type3A_126, %cond3A_127 : i32
      scf.if %cond3A_128 {
        %add3A_129 = arith.constant 2 : i32
        %add3A_130 = arith.addi %mul3A_74, %add3A_129 : i32
        %dma_start3A_131 = arith.constant 0 : i32
        %dma_start3A_132 = arith.constant 0 : i32
        %dma_start3A_133 = tpu.memref_slice %arg7[%dma_start3A_131, %add3A_130, %dma_start3A_132] : memref<2x40x128xi32, #tpu.memory_space<vmem>> -> memref<1x1x128xi32, #tpu.memory_space<vmem>>
        %dma_start3A_134 = tpu.memref_squeeze %dma_start3A_133 : memref<1x1x128xi32, #tpu.memory_space<vmem>> -> memref<128xi32, #tpu.memory_space<vmem>>
        %dma_start3A_135 = arith.constant 0 : i32
        %dma_start3A_136 = arith.constant 0 : i32
        %dma_start3A_137 = tpu.memref_slice %arg2[%dma_start3A_135, %dma_start3A_136] : memref<10000x128xf32, #tpu.memory_space<hbm>> -> memref<10000x128xf32, #tpu.memory_space<hbm>>
        tpu.enqueue_indirect_dma source(%dma_start3A_137 : memref<10000x128xf32, #tpu.memory_space<hbm>>) target(%arg8 : memref<128x128xf32, #tpu.memory_space<vmem>>) offsets(%dma_start3A_134 : memref<128xi32, #tpu.memory_space<vmem>>) semaphore(%arg10 : memref<!tpu.dma_semaphore, #tpu.memory_space<semaphore_mem>>)
      } else {
      }
    }
    %scan3A_19 = arith.constant 20 : i32
    %dma_wait3A = arith.constant 0 : i32
    %dma_wait3A_20 = arith.constant 0 : i32
    %dma_wait3A_21 = tpu.memref_slice %arg6[%dma_wait3A, %dma_wait3A_20] : memref<10240x128xf32, #tpu.memory_space<vmem_shared>> -> memref<128x128xf32, #tpu.memory_space<vmem_shared>>
    %dma_wait3A_22 = arith.constant 0 : i32
    %dma_wait3A_23 = arith.constant 0 : i32
    %dma_wait3A_24 = tpu.memref_slice %arg6[%dma_wait3A_22, %dma_wait3A_23] : memref<10240x128xf32, #tpu.memory_space<vmem_shared>> -> memref<128x128xf32, #tpu.memory_space<vmem_shared>>
    tpu.wait_dma2 semaphore(%arg11 : memref<!tpu.dma_semaphore, #tpu.memory_space<semaphore_mem>>) src(%arg8 : memref<128x128xf32, #tpu.memory_space<vmem>>) dst(%dma_wait3A_24 : memref<128x128xf32, #tpu.memory_space<vmem_shared>>)
    %run_scoped3A_25 = arith.constant 0 : i32
    %run_scoped3A_26 = arith.constant 0 : i32
    "tpu.region"() ({
      %run_scoped3A_72 = tpu.sem_alloc : memref<!tpu.dma_semaphore, #tpu.memory_space<semaphore_mem>>
      %dma_start3A_73 = arith.constant 0 : i32
      %dma_start3A_74 = arith.constant 0 : i32
      %dma_start3A_75 = tpu.memref_slice %arg7[%run_scoped3A_26, %dma_start3A_73, %dma_start3A_74] : memref<2x40x128xi32, #tpu.memory_space<vmem>> -> memref<1x39x128xi32, #tpu.memory_space<vmem>>
      %dma_start3A_76 = tpu.memref_squeeze %dma_start3A_75 : memref<1x39x128xi32, #tpu.memory_space<vmem>> -> memref<39x128xi32, #tpu.memory_space<vmem>>
      %dma_start3A_77 = arith.constant 40 : i32
      %dma_start3A_78 = arith.constant 0 : i32
      %dma_start3A_79 = tpu.memref_slice %arg3[%run_scoped3A_25, %add3A, %dma_start3A_77, %dma_start3A_78] : memref<2x32x79x128xi32, #tpu.memory_space<hbm>> -> memref<1x1x39x128xi32, #tpu.memory_space<hbm>>
      %dma_start3A_80 = tpu.memref_squeeze %dma_start3A_79 : memref<1x1x39x128xi32, #tpu.memory_space<hbm>> -> memref<39x128xi32, #tpu.memory_space<hbm>>
      %dma_start3A_81 = arith.constant 0 : i32
      %dma_start3A_82 = arith.constant 0 : i32
      %dma_start3A_83 = tpu.memref_slice %arg7[%run_scoped3A_26, %dma_start3A_81, %dma_start3A_82] : memref<2x40x128xi32, #tpu.memory_space<vmem>> -> memref<1x39x128xi32, #tpu.memory_space<vmem>>
      %dma_start3A_84 = tpu.memref_squeeze %dma_start3A_83 : memref<1x39x128xi32, #tpu.memory_space<vmem>> -> memref<39x128xi32, #tpu.memory_space<vmem>>
      %dma_start3A_85 = arith.constant 40 : i32
      %dma_start3A_86 = arith.constant 0 : i32
      %dma_start3A_87 = tpu.memref_slice %arg3[%run_scoped3A_25, %add3A, %dma_start3A_85, %dma_start3A_86] : memref<2x32x79x128xi32, #tpu.memory_space<hbm>> -> memref<1x1x39x128xi32, #tpu.memory_space<hbm>>
      %dma_start3A_88 = tpu.memref_squeeze %dma_start3A_87 : memref<1x1x39x128xi32, #tpu.memory_space<hbm>> -> memref<39x128xi32, #tpu.memory_space<hbm>>
      tpu.enqueue_dma source(%dma_start3A_88 : memref<39x128xi32, #tpu.memory_space<hbm>>) target(%dma_start3A_84 : memref<39x128xi32, #tpu.memory_space<vmem>>) target_semaphore(%run_scoped3A_72 : memref<!tpu.dma_semaphore, #tpu.memory_space<semaphore_mem>>)
      %dma_wait3A_89 = arith.constant 0 : i32
      %dma_wait3A_90 = arith.constant 0 : i32
      %dma_wait3A_91 = tpu.memref_slice %arg7[%run_scoped3A_26, %dma_wait3A_89, %dma_wait3A_90] : memref<2x40x128xi32, #tpu.memory_space<vmem>> -> memref<1x39x128xi32, #tpu.memory_space<vmem>>
      %dma_wait3A_92 = tpu.memref_squeeze %dma_wait3A_91 : memref<1x39x128xi32, #tpu.memory_space<vmem>> -> memref<39x128xi32, #tpu.memory_space<vmem>>
      %dma_wait3A_93 = arith.constant 40 : i32
      %dma_wait3A_94 = arith.constant 0 : i32
      %dma_wait3A_95 = tpu.memref_slice %arg3[%run_scoped3A_25, %add3A, %dma_wait3A_93, %dma_wait3A_94] : memref<2x32x79x128xi32, #tpu.memory_space<hbm>> -> memref<1x1x39x128xi32, #tpu.memory_space<hbm>>
      %dma_wait3A_96 = tpu.memref_squeeze %dma_wait3A_95 : memref<1x1x39x128xi32, #tpu.memory_space<hbm>> -> memref<39x128xi32, #tpu.memory_space<hbm>>
      %dma_wait3A_97 = arith.constant 0 : i32
      %dma_wait3A_98 = arith.constant 0 : i32
      %dma_wait3A_99 = tpu.memref_slice %arg7[%run_scoped3A_26, %dma_wait3A_97, %dma_wait3A_98] : memref<2x40x128xi32, #tpu.memory_space<vmem>> -> memref<1x39x128xi32, #tpu.memory_space<vmem>>
      %dma_wait3A_100 = tpu.memref_squeeze %dma_wait3A_99 : memref<1x39x128xi32, #tpu.memory_space<vmem>> -> memref<39x128xi32, #tpu.memory_space<vmem>>
      %dma_wait3A_101 = arith.constant 40 : i32
      %dma_wait3A_102 = arith.constant 0 : i32
      %dma_wait3A_103 = tpu.memref_slice %arg3[%run_scoped3A_25, %add3A, %dma_wait3A_101, %dma_wait3A_102] : memref<2x32x79x128xi32, #tpu.memory_space<hbm>> -> memref<1x1x39x128xi32, #tpu.memory_space<hbm>>
      %dma_wait3A_104 = tpu.memref_squeeze %dma_wait3A_103 : memref<1x1x39x128xi32, #tpu.memory_space<hbm>> -> memref<39x128xi32, #tpu.memory_space<hbm>>
      tpu.wait_dma2 semaphore(%run_scoped3A_72 : memref<!tpu.dma_semaphore, #tpu.memory_space<semaphore_mem>>) src(%dma_wait3A_104 : memref<39x128xi32, #tpu.memory_space<hbm>>) dst(%dma_wait3A_100 : memref<39x128xi32, #tpu.memory_space<vmem>>)
      tpu.yield
    }) : () -> ()
    %run_scoped3A_27 = arith.constant 1 : i32
    %run_scoped3A_28 = arith.constant 1 : i32
    "tpu.region"() ({
      %run_scoped3A_72 = tpu.sem_alloc : memref<!tpu.dma_semaphore, #tpu.memory_space<semaphore_mem>>
      %dma_start3A_73 = arith.constant 0 : i32
      %dma_start3A_74 = arith.constant 0 : i32
      %dma_start3A_75 = tpu.memref_slice %arg7[%run_scoped3A_28, %dma_start3A_73, %dma_start3A_74] : memref<2x40x128xi32, #tpu.memory_space<vmem>> -> memref<1x39x128xi32, #tpu.memory_space<vmem>>
      %dma_start3A_76 = tpu.memref_squeeze %dma_start3A_75 : memref<1x39x128xi32, #tpu.memory_space<vmem>> -> memref<39x128xi32, #tpu.memory_space<vmem>>
      %dma_start3A_77 = arith.constant 40 : i32
      %dma_start3A_78 = arith.constant 0 : i32
      %dma_start3A_79 = tpu.memref_slice %arg3[%run_scoped3A_27, %add3A, %dma_start3A_77, %dma_start3A_78] : memref<2x32x79x128xi32, #tpu.memory_space<hbm>> -> memref<1x1x39x128xi32, #tpu.memory_space<hbm>>
      %dma_start3A_80 = tpu.memref_squeeze %dma_start3A_79 : memref<1x1x39x128xi32, #tpu.memory_space<hbm>> -> memref<39x128xi32, #tpu.memory_space<hbm>>
      %dma_start3A_81 = arith.constant 0 : i32
      %dma_start3A_82 = arith.constant 0 : i32
      %dma_start3A_83 = tpu.memref_slice %arg7[%run_scoped3A_28, %dma_start3A_81, %dma_start3A_82] : memref<2x40x128xi32, #tpu.memory_space<vmem>> -> memref<1x39x128xi32, #tpu.memory_space<vmem>>
      %dma_start3A_84 = tpu.memref_squeeze %dma_start3A_83 : memref<1x39x128xi32, #tpu.memory_space<vmem>> -> memref<39x128xi32, #tpu.memory_space<vmem>>
      %dma_start3A_85 = arith.constant 40 : i32
      %dma_start3A_86 = arith.constant 0 : i32
      %dma_start3A_87 = tpu.memref_slice %arg3[%run_scoped3A_27, %add3A, %dma_start3A_85, %dma_start3A_86] : memref<2x32x79x128xi32, #tpu.memory_space<hbm>> -> memref<1x1x39x128xi32, #tpu.memory_space<hbm>>
      %dma_start3A_88 = tpu.memref_squeeze %dma_start3A_87 : memref<1x1x39x128xi32, #tpu.memory_space<hbm>> -> memref<39x128xi32, #tpu.memory_space<hbm>>
      tpu.enqueue_dma source(%dma_start3A_88 : memref<39x128xi32, #tpu.memory_space<hbm>>) target(%dma_start3A_84 : memref<39x128xi32, #tpu.memory_space<vmem>>) target_semaphore(%run_scoped3A_72 : memref<!tpu.dma_semaphore, #tpu.memory_space<semaphore_mem>>)
      %dma_wait3A_89 = arith.constant 0 : i32
      %dma_wait3A_90 = arith.constant 0 : i32
      %dma_wait3A_91 = tpu.memref_slice %arg7[%run_scoped3A_28, %dma_wait3A_89, %dma_wait3A_90] : memref<2x40x128xi32, #tpu.memory_space<vmem>> -> memref<1x39x128xi32, #tpu.memory_space<vmem>>
      %dma_wait3A_92 = tpu.memref_squeeze %dma_wait3A_91 : memref<1x39x128xi32, #tpu.memory_space<vmem>> -> memref<39x128xi32, #tpu.memory_space<vmem>>
      %dma_wait3A_93 = arith.constant 40 : i32
      %dma_wait3A_94 = arith.constant 0 : i32
      %dma_wait3A_95 = tpu.memref_slice %arg3[%run_scoped3A_27, %add3A, %dma_wait3A_93, %dma_wait3A_94] : memref<2x32x79x128xi32, #tpu.memory_space<hbm>> -> memref<1x1x39x128xi32, #tpu.memory_space<hbm>>
      %dma_wait3A_96 = tpu.memref_squeeze %dma_wait3A_95 : memref<1x1x39x128xi32, #tpu.memory_space<hbm>> -> memref<39x128xi32, #tpu.memory_space<hbm>>
      %dma_wait3A_97 = arith.constant 0 : i32
      %dma_wait3A_98 = arith.constant 0 : i32
      %dma_wait3A_99 = tpu.memref_slice %arg7[%run_scoped3A_28, %dma_wait3A_97, %dma_wait3A_98] : memref<2x40x128xi32, #tpu.memory_space<vmem>> -> memref<1x39x128xi32, #tpu.memory_space<vmem>>
      %dma_wait3A_100 = tpu.memref_squeeze %dma_wait3A_99 : memref<1x39x128xi32, #tpu.memory_space<vmem>> -> memref<39x128xi32, #tpu.memory_space<vmem>>
      %dma_wait3A_101 = arith.constant 40 : i32
      %dma_wait3A_102 = arith.constant 0 : i32
      %dma_wait3A_103 = tpu.memref_slice %arg3[%run_scoped3A_27, %add3A, %dma_wait3A_101, %dma_wait3A_102] : memref<2x32x79x128xi32, #tpu.memory_space<hbm>> -> memref<1x1x39x128xi32, #tpu.memory_space<hbm>>
      %dma_wait3A_104 = tpu.memref_squeeze %dma_wait3A_103 : memref<1x1x39x128xi32, #tpu.memory_space<hbm>> -> memref<39x128xi32, #tpu.memory_space<hbm>>
      tpu.wait_dma2 semaphore(%run_scoped3A_72 : memref<!tpu.dma_semaphore, #tpu.memory_space<semaphore_mem>>) src(%dma_wait3A_104 : memref<39x128xi32, #tpu.memory_space<hbm>>) dst(%dma_wait3A_100 : memref<39x128xi32, #tpu.memory_space<vmem>>)
      tpu.yield
    }) : () -> ()
    %dma_start3A_29 = arith.constant 0 : i32
    %dma_start3A_30 = arith.constant 0 : i32
    %dma_start3A_31 = arith.constant 0 : i32
    %dma_start3A_32 = tpu.memref_slice %arg7[%dma_start3A_29, %dma_start3A_30, %dma_start3A_31] : memref<2x40x128xi32, #tpu.memory_space<vmem>> -> memref<1x1x128xi32, #tpu.memory_space<vmem>>
    %dma_start3A_33 = tpu.memref_squeeze %dma_start3A_32 : memref<1x1x128xi32, #tpu.memory_space<vmem>> -> memref<128xi32, #tpu.memory_space<vmem>>
    %dma_start3A_34 = arith.constant 0 : i32
    %dma_start3A_35 = arith.constant 0 : i32
    %dma_start3A_36 = tpu.memref_slice %arg2[%dma_start3A_34, %dma_start3A_35] : memref<10000x128xf32, #tpu.memory_space<hbm>> -> memref<10000x128xf32, #tpu.memory_space<hbm>>
    tpu.enqueue_indirect_dma source(%dma_start3A_36 : memref<10000x128xf32, #tpu.memory_space<hbm>>) target(%arg8 : memref<128x128xf32, #tpu.memory_space<vmem>>) offsets(%dma_start3A_33 : memref<128xi32, #tpu.memory_space<vmem>>) semaphore(%arg10 : memref<!tpu.dma_semaphore, #tpu.memory_space<semaphore_mem>>)
    %scan3A_37 = arith.constant 0 : i32
    %scan3A_38 = arith.constant 0 : i32
    %scan3A_39 = arith.constant 19 : i32
    %scan3A_40 = arith.addi %scan3A_38, %scan3A_39 : i32
    %scan3A_41 = arith.constant 1 : i32
    scf.for %scan3A_72 = %scan3A_38 to %scan3A_40 step %scan3A_41  : i32 {
      %mul3A_73 = arith.constant 2 : i32
      %mul3A_74 = arith.muli %mul3A_73, %scan3A_72 : i32
      %dma_wait3A_75 = arith.constant 0 : i32
      %dma_wait3A_76 = arith.constant 0 : i32
      %dma_wait3A_77 = tpu.memref_slice %arg2[%dma_wait3A_75, %dma_wait3A_76] : memref<10000x128xf32, #tpu.memory_space<hbm>> -> memref<128x128xf32, #tpu.memory_space<hbm>>
      %dma_wait3A_78 = arith.constant 0 : i32
      %dma_wait3A_79 = arith.constant 0 : i32
      %dma_wait3A_80 = tpu.memref_slice %arg2[%dma_wait3A_78, %dma_wait3A_79] : memref<10000x128xf32, #tpu.memory_space<hbm>> -> memref<128x128xf32, #tpu.memory_space<hbm>>
      tpu.wait_dma2 semaphore(%arg10 : memref<!tpu.dma_semaphore, #tpu.memory_space<semaphore_mem>>) src(%dma_wait3A_80 : memref<128x128xf32, #tpu.memory_space<hbm>>) dst(%arg8 : memref<128x128xf32, #tpu.memory_space<vmem>>)
      %gt3A = arith.constant 0 : i32
      %gt3A_81 = arith.cmpi sgt, %scan3A_72, %gt3A : i32
      %convert_element_type3A_82 = arith.extui %gt3A_81 : i1 to i32
      %cond3A_83 = arith.constant 0 : i32
      %cond3A_84 = arith.cmpi ne, %convert_element_type3A_82, %cond3A_83 : i32
      scf.if %cond3A_84 {
        %dma_wait3A_129 = arith.constant 0 : i32
        %dma_wait3A_130 = arith.constant 0 : i32
        %dma_wait3A_131 = tpu.memref_slice %arg6[%dma_wait3A_129, %dma_wait3A_130] : memref<10240x128xf32, #tpu.memory_space<vmem_shared>> -> memref<128x128xf32, #tpu.memory_space<vmem_shared>>
        %dma_wait3A_132 = arith.constant 0 : i32
        %dma_wait3A_133 = arith.constant 0 : i32
        %dma_wait3A_134 = tpu.memref_slice %arg6[%dma_wait3A_132, %dma_wait3A_133] : memref<10240x128xf32, #tpu.memory_space<vmem_shared>> -> memref<128x128xf32, #tpu.memory_space<vmem_shared>>
        tpu.wait_dma2 semaphore(%arg11 : memref<!tpu.dma_semaphore, #tpu.memory_space<semaphore_mem>>) src(%arg8 : memref<128x128xf32, #tpu.memory_space<vmem>>) dst(%dma_wait3A_134 : memref<128x128xf32, #tpu.memory_space<vmem_shared>>)
      } else {
      }
      %dma_start3A_85 = arith.constant 1 : i32
      %dma_start3A_86 = arith.constant 0 : i32
      %dma_start3A_87 = tpu.memref_slice %arg7[%dma_start3A_85, %mul3A_74, %dma_start3A_86] : memref<2x40x128xi32, #tpu.memory_space<vmem>> -> memref<1x1x128xi32, #tpu.memory_space<vmem>>
      %dma_start3A_88 = tpu.memref_squeeze %dma_start3A_87 : memref<1x1x128xi32, #tpu.memory_space<vmem>> -> memref<128xi32, #tpu.memory_space<vmem>>
      %dma_start3A_89 = arith.constant 0 : i32
      %dma_start3A_90 = arith.constant 0 : i32
      %dma_start3A_91 = tpu.memref_slice %arg6[%dma_start3A_89, %dma_start3A_90] : memref<10240x128xf32, #tpu.memory_space<vmem_shared>> -> memref<10240x128xf32, #tpu.memory_space<vmem_shared>>
      tpu.enqueue_indirect_dma source(%arg8 : memref<128x128xf32, #tpu.memory_space<vmem>>) target(%dma_start3A_91 : memref<10240x128xf32, #tpu.memory_space<vmem_shared>>) offsets(%dma_start3A_88 : memref<128xi32, #tpu.memory_space<vmem>>) semaphore(%arg11 : memref<!tpu.dma_semaphore, #tpu.memory_space<semaphore_mem>>) {add = true}
      %add3A_92 = arith.constant 1 : i32
      %add3A_93 = arith.addi %mul3A_74, %add3A_92 : i32
      %dma_start3A_94 = arith.constant 0 : i32
      %dma_start3A_95 = arith.constant 0 : i32
      %dma_start3A_96 = tpu.memref_slice %arg7[%dma_start3A_94, %add3A_93, %dma_start3A_95] : memref<2x40x128xi32, #tpu.memory_space<vmem>> -> memref<1x1x128xi32, #tpu.memory_space<vmem>>
      %dma_start3A_97 = tpu.memref_squeeze %dma_start3A_96 : memref<1x1x128xi32, #tpu.memory_space<vmem>> -> memref<128xi32, #tpu.memory_space<vmem>>
      %dma_start3A_98 = arith.constant 0 : i32
      %dma_start3A_99 = arith.constant 0 : i32
      %dma_start3A_100 = tpu.memref_slice %arg2[%dma_start3A_98, %dma_start3A_99] : memref<10000x128xf32, #tpu.memory_space<hbm>> -> memref<10000x128xf32, #tpu.memory_space<hbm>>
      tpu.enqueue_indirect_dma source(%dma_start3A_100 : memref<10000x128xf32, #tpu.memory_space<hbm>>) target(%arg9 : memref<128x128xf32, #tpu.memory_space<vmem>>) offsets(%dma_start3A_97 : memref<128xi32, #tpu.memory_space<vmem>>) semaphore(%arg10 : memref<!tpu.dma_semaphore, #tpu.memory_space<semaphore_mem>>)
      %dma_wait3A_101 = arith.constant 0 : i32
      %dma_wait3A_102 = arith.constant 0 : i32
      %dma_wait3A_103 = tpu.memref_slice %arg2[%dma_wait3A_101, %dma_wait3A_102] : memref<10000x128xf32, #tpu.memory_space<hbm>> -> memref<128x128xf32, #tpu.memory_space<hbm>>
      %dma_wait3A_104 = arith.constant 0 : i32
      %dma_wait3A_105 = arith.constant 0 : i32
      %dma_wait3A_106 = tpu.memref_slice %arg2[%dma_wait3A_104, %dma_wait3A_105] : memref<10000x128xf32, #tpu.memory_space<hbm>> -> memref<128x128xf32, #tpu.memory_space<hbm>>
      tpu.wait_dma2 semaphore(%arg10 : memref<!tpu.dma_semaphore, #tpu.memory_space<semaphore_mem>>) src(%dma_wait3A_106 : memref<128x128xf32, #tpu.memory_space<hbm>>) dst(%arg8 : memref<128x128xf32, #tpu.memory_space<vmem>>)
      %dma_wait3A_107 = arith.constant 0 : i32
      %dma_wait3A_108 = arith.constant 0 : i32
      %dma_wait3A_109 = tpu.memref_slice %arg6[%dma_wait3A_107, %dma_wait3A_108] : memref<10240x128xf32, #tpu.memory_space<vmem_shared>> -> memref<128x128xf32, #tpu.memory_space<vmem_shared>>
      %dma_wait3A_110 = arith.constant 0 : i32
      %dma_wait3A_111 = arith.constant 0 : i32
      %dma_wait3A_112 = tpu.memref_slice %arg6[%dma_wait3A_110, %dma_wait3A_111] : memref<10240x128xf32, #tpu.memory_space<vmem_shared>> -> memref<128x128xf32, #tpu.memory_space<vmem_shared>>
      tpu.wait_dma2 semaphore(%arg11 : memref<!tpu.dma_semaphore, #tpu.memory_space<semaphore_mem>>) src(%arg8 : memref<128x128xf32, #tpu.memory_space<vmem>>) dst(%dma_wait3A_112 : memref<128x128xf32, #tpu.memory_space<vmem_shared>>)
      %add3A_113 = arith.constant 1 : i32
      %add3A_114 = arith.addi %mul3A_74, %add3A_113 : i32
      %dma_start3A_115 = arith.constant 1 : i32
      %dma_start3A_116 = arith.constant 0 : i32
      %dma_start3A_117 = tpu.memref_slice %arg7[%dma_start3A_115, %add3A_114, %dma_start3A_116] : memref<2x40x128xi32, #tpu.memory_space<vmem>> -> memref<1x1x128xi32, #tpu.memory_space<vmem>>
      %dma_start3A_118 = tpu.memref_squeeze %dma_start3A_117 : memref<1x1x128xi32, #tpu.memory_space<vmem>> -> memref<128xi32, #tpu.memory_space<vmem>>
      %dma_start3A_119 = arith.constant 0 : i32
      %dma_start3A_120 = arith.constant 0 : i32
      %dma_start3A_121 = tpu.memref_slice %arg6[%dma_start3A_119, %dma_start3A_120] : memref<10240x128xf32, #tpu.memory_space<vmem_shared>> -> memref<10240x128xf32, #tpu.memory_space<vmem_shared>>
      tpu.enqueue_indirect_dma source(%arg9 : memref<128x128xf32, #tpu.memory_space<vmem>>) target(%dma_start3A_121 : memref<10240x128xf32, #tpu.memory_space<vmem_shared>>) offsets(%dma_start3A_118 : memref<128xi32, #tpu.memory_space<vmem>>) semaphore(%arg11 : memref<!tpu.dma_semaphore, #tpu.memory_space<semaphore_mem>>) {add = true}
      %add3A_122 = arith.constant 2 : i32
      %add3A_123 = arith.addi %mul3A_74, %add3A_122 : i32
      %lt3A_124 = arith.constant 39 : i32
      %lt3A_125 = arith.cmpi slt, %add3A_123, %lt3A_124 : i32
      %convert_element_type3A_126 = arith.extui %lt3A_125 : i1 to i32
      %cond3A_127 = arith.constant 0 : i32
      %cond3A_128 = arith.cmpi ne, %convert_element_type3A_126, %cond3A_127 : i32
      scf.if %cond3A_128 {
        %add3A_129 = arith.constant 2 : i32
        %add3A_130 = arith.addi %mul3A_74, %add3A_129 : i32
        %dma_start3A_131 = arith.constant 0 : i32
        %dma_start3A_132 = arith.constant 0 : i32
        %dma_start3A_133 = tpu.memref_slice %arg7[%dma_start3A_131, %add3A_130, %dma_start3A_132] : memref<2x40x128xi32, #tpu.memory_space<vmem>> -> memref<1x1x128xi32, #tpu.memory_space<vmem>>
        %dma_start3A_134 = tpu.memref_squeeze %dma_start3A_133 : memref<1x1x128xi32, #tpu.memory_space<vmem>> -> memref<128xi32, #tpu.memory_space<vmem>>
        %dma_start3A_135 = arith.constant 0 : i32
        %dma_start3A_136 = arith.constant 0 : i32
        %dma_start3A_137 = tpu.memref_slice %arg2[%dma_start3A_135, %dma_start3A_136] : memref<10000x128xf32, #tpu.memory_space<hbm>> -> memref<10000x128xf32, #tpu.memory_space<hbm>>
        tpu.enqueue_indirect_dma source(%dma_start3A_137 : memref<10000x128xf32, #tpu.memory_space<hbm>>) target(%arg8 : memref<128x128xf32, #tpu.memory_space<vmem>>) offsets(%dma_start3A_134 : memref<128xi32, #tpu.memory_space<vmem>>) semaphore(%arg10 : memref<!tpu.dma_semaphore, #tpu.memory_space<semaphore_mem>>)
      } else {
      }
    }
    %scan3A_42 = arith.constant 19 : i32
    %dma_wait3A_43 = arith.constant 0 : i32
    %dma_wait3A_44 = arith.constant 0 : i32
    %dma_wait3A_45 = tpu.memref_slice %arg2[%dma_wait3A_43, %dma_wait3A_44] : memref<10000x128xf32, #tpu.memory_space<hbm>> -> memref<128x128xf32, #tpu.memory_space<hbm>>
    %dma_wait3A_46 = arith.constant 0 : i32
    %dma_wait3A_47 = arith.constant 0 : i32
    %dma_wait3A_48 = tpu.memref_slice %arg2[%dma_wait3A_46, %dma_wait3A_47] : memref<10000x128xf32, #tpu.memory_space<hbm>> -> memref<128x128xf32, #tpu.memory_space<hbm>>
    tpu.wait_dma2 semaphore(%arg10 : memref<!tpu.dma_semaphore, #tpu.memory_space<semaphore_mem>>) src(%dma_wait3A_48 : memref<128x128xf32, #tpu.memory_space<hbm>>) dst(%arg8 : memref<128x128xf32, #tpu.memory_space<vmem>>)
    %dma_wait3A_49 = arith.constant 0 : i32
    %dma_wait3A_50 = arith.constant 0 : i32
    %dma_wait3A_51 = tpu.memref_slice %arg6[%dma_wait3A_49, %dma_wait3A_50] : memref<10240x128xf32, #tpu.memory_space<vmem_shared>> -> memref<128x128xf32, #tpu.memory_space<vmem_shared>>
    %dma_wait3A_52 = arith.constant 0 : i32
    %dma_wait3A_53 = arith.constant 0 : i32
    %dma_wait3A_54 = tpu.memref_slice %arg6[%dma_wait3A_52, %dma_wait3A_53] : memref<10240x128xf32, #tpu.memory_space<vmem_shared>> -> memref<128x128xf32, #tpu.memory_space<vmem_shared>>
    tpu.wait_dma2 semaphore(%arg11 : memref<!tpu.dma_semaphore, #tpu.memory_space<semaphore_mem>>) src(%arg8 : memref<128x128xf32, #tpu.memory_space<vmem>>) dst(%dma_wait3A_54 : memref<128x128xf32, #tpu.memory_space<vmem_shared>>)
    %dma_start3A_55 = arith.constant 1 : i32
    %dma_start3A_56 = arith.constant 38 : i32
    %dma_start3A_57 = arith.constant 0 : i32
    %dma_start3A_58 = tpu.memref_slice %arg7[%dma_start3A_55, %dma_start3A_56, %dma_start3A_57] : memref<2x40x128xi32, #tpu.memory_space<vmem>> -> memref<1x1x128xi32, #tpu.memory_space<vmem>>
    %dma_start3A_59 = tpu.memref_squeeze %dma_start3A_58 : memref<1x1x128xi32, #tpu.memory_space<vmem>> -> memref<128xi32, #tpu.memory_space<vmem>>
    %dma_start3A_60 = arith.constant 0 : i32
    %dma_start3A_61 = arith.constant 0 : i32
    %dma_start3A_62 = tpu.memref_slice %arg6[%dma_start3A_60, %dma_start3A_61] : memref<10240x128xf32, #tpu.memory_space<vmem_shared>> -> memref<10240x128xf32, #tpu.memory_space<vmem_shared>>
    tpu.enqueue_indirect_dma source(%arg8 : memref<128x128xf32, #tpu.memory_space<vmem>>) target(%dma_start3A_62 : memref<10240x128xf32, #tpu.memory_space<vmem_shared>>) offsets(%dma_start3A_59 : memref<128xi32, #tpu.memory_space<vmem>>) semaphore(%arg11 : memref<!tpu.dma_semaphore, #tpu.memory_space<semaphore_mem>>) {add = true}
    %dma_wait3A_63 = arith.constant 0 : i32
    %dma_wait3A_64 = arith.constant 0 : i32
    %dma_wait3A_65 = tpu.memref_slice %arg6[%dma_wait3A_63, %dma_wait3A_64] : memref<10240x128xf32, #tpu.memory_space<vmem_shared>> -> memref<128x128xf32, #tpu.memory_space<vmem_shared>>
    %dma_wait3A_66 = arith.constant 0 : i32
    %dma_wait3A_67 = arith.constant 0 : i32
    %dma_wait3A_68 = tpu.memref_slice %arg6[%dma_wait3A_66, %dma_wait3A_67] : memref<10240x128xf32, #tpu.memory_space<vmem_shared>> -> memref<128x128xf32, #tpu.memory_space<vmem_shared>>
    tpu.wait_dma2 semaphore(%arg11 : memref<!tpu.dma_semaphore, #tpu.memory_space<semaphore_mem>>) src(%arg8 : memref<128x128xf32, #tpu.memory_space<vmem>>) dst(%dma_wait3A_68 : memref<128x128xf32, #tpu.memory_space<vmem_shared>>)
    %barrier3A_69 = arith.constant 0 : index
    tpu.barrier barrier_id(%barrier3A_69)
    %lt3A = arith.constant 10 : i32
    %lt3A_70 = arith.cmpi slt, %arg1, %lt3A : i32
    %convert_element_type3A = arith.extui %lt3A_70 : i1 to i32
    %cond3A = arith.constant 0 : i32
    %cond3A_71 = arith.cmpi ne, %convert_element_type3A, %cond3A : i32
    scf.if %cond3A_71 {
      %mul3A_72 = arith.constant 1000 : i32
      %mul3A_73 = arith.muli %arg1, %mul3A_72 : i32
      %mul3A_74 = arith.constant 1000 : i32
      %mul3A_75 = arith.muli %arg1, %mul3A_74 : i32
      "tpu.region"() ({
        %run_scoped3A_76 = tpu.sem_alloc : memref<!tpu.dma_semaphore, #tpu.memory_space<semaphore_mem>>
        %dma_start3A_77 = arith.constant 0 : i32
        %dma_start3A_78 = tpu.memref_slice %arg5[%arg0, %mul3A_75, %dma_start3A_77] : memref<2x10000x128xf32, #tpu.memory_space<hbm>> -> memref<1x1000x128xf32, #tpu.memory_space<hbm>>
        %dma_start3A_79 = tpu.memref_squeeze %dma_start3A_78 : memref<1x1000x128xf32, #tpu.memory_space<hbm>> -> memref<1000x128xf32, #tpu.memory_space<hbm>>
        %dma_start3A_80 = arith.constant 0 : i32
        %dma_start3A_81 = tpu.memref_slice %arg6[%mul3A_73, %dma_start3A_80] : memref<10240x128xf32, #tpu.memory_space<vmem_shared>> -> memref<1000x128xf32, #tpu.memory_space<vmem_shared>>
        tpu.enqueue_dma source(%dma_start3A_81 : memref<1000x128xf32, #tpu.memory_space<vmem_shared>>) target(%dma_start3A_79 : memref<1000x128xf32, #tpu.memory_space<hbm>>) target_semaphore(%run_scoped3A_76 : memref<!tpu.dma_semaphore, #tpu.memory_space<semaphore_mem>>)
        %dma_wait3A_82 = arith.constant 0 : i32
        %dma_wait3A_83 = tpu.memref_slice %arg5[%arg0, %mul3A_75, %dma_wait3A_82] : memref<2x10000x128xf32, #tpu.memory_space<hbm>> -> memref<1x1000x128xf32, #tpu.memory_space<hbm>>
        %dma_wait3A_84 = tpu.memref_squeeze %dma_wait3A_83 : memref<1x1000x128xf32, #tpu.memory_space<hbm>> -> memref<1000x128xf32, #tpu.memory_space<hbm>>
        %dma_wait3A_85 = arith.constant 0 : i32
        %dma_wait3A_86 = tpu.memref_slice %arg6[%mul3A_73, %dma_wait3A_85] : memref<10240x128xf32, #tpu.memory_space<vmem_shared>> -> memref<1000x128xf32, #tpu.memory_space<vmem_shared>>
        tpu.wait_dma2 semaphore(%run_scoped3A_76 : memref<!tpu.dma_semaphore, #tpu.memory_space<semaphore_mem>>) src(%dma_wait3A_86 : memref<1000x128xf32, #tpu.memory_space<vmem_shared>>) dst(%dma_wait3A_84 : memref<1000x128xf32, #tpu.memory_space<hbm>>)
        tpu.yield
      }) : () -> ()
    } else {
    }
    return
  }
}

module attributes {stable_mosaic.version = 14 : i64} {
  func.func @_scale_kernel(%arg0: i32, %arg1: memref<1024x128xf32, #tpu.memory_space<vmem>>, %arg2: memref<16x1024xf32, #tpu.memory_space<vmem>>, %arg3: memref<1024x128xf32, #tpu.memory_space<vmem>>) attributes {dimension_semantics = [#tpu.dimension_semantics<arbitrary>], iteration_bounds = array<i64: 10>, scalar_prefetch = 0 : i64, scratch_operands = 0 : i64, tpu.core_type = #tpu.core_type<tc>, window_params = [{transform_indices = @transform_0, window_bounds = array<i64: 1024, 128>}, {transform_indices = @transform_1, window_bounds = array<i64: 16, 1024>}, {transform_indices = @transform_2, window_bounds = array<i64: 1024, 128>}]} {
    %get3A = arith.constant 0 : index
    %get3A_0 = arith.constant 0 : index
    %get3A_1 = vector.load %arg1[%get3A, %get3A_0] : memref<1024x128xf32, #tpu.memory_space<vmem>>, vector<1024x128xf32>
    %get3A_2 = arith.constant 0 : index
    %get3A_3 = arith.constant 0 : index
    %get3A_4 = vector.load %arg2[%get3A_2, %get3A_3] : memref<16x1024xf32, #tpu.memory_space<vmem>>, vector<16x1024xf32>
    %reduce_sum3A = arith.constant dense<0.000000e+00> : vector<1024xf32>
    %reduce_sum3A_5 = vector.multi_reduction <add>, %get3A_4, %reduce_sum3A [0] : vector<16x1024xf32> to vector<1024xf32>
    %broadcast_in_dim3A = vector.shape_cast %reduce_sum3A_5 : vector<1024xf32> to vector<1024x1xf32>
    %max3A = arith.constant 1.000000e+00 : f32
    %max3A_6 = vector.broadcast %max3A : f32 to vector<1024x1xf32>
    %max3A_7 = arith.maximumf %broadcast_in_dim3A, %max3A_6 : vector<1024x1xf32>
    %rsqrt3A = math.rsqrt %max3A_7 : vector<1024x1xf32>
    %mul3A = vector.broadcast %rsqrt3A : vector<1024x1xf32> to vector<1024x128xf32>
    %mul3A_8 = arith.mulf %get3A_1, %mul3A : vector<1024x128xf32>
    %swap3A = arith.constant 0 : index
    %swap3A_9 = arith.constant 0 : index
    %swap3A_10 = vector.load %arg3[%swap3A, %swap3A_9] : memref<1024x128xf32, #tpu.memory_space<vmem>>, vector<1024x128xf32>
    tpu.vector_store %arg3[%swap3A, %swap3A_9], %mul3A_8 {strides = array<i32>} : memref<1024x128xf32, #tpu.memory_space<vmem>>, vector<1024x128xf32>,
    return
  }
  func.func @transform_0(%arg0: i32) -> (i32, i32) {
    %c0_i32 = arith.constant 0 : i32
    %c0_i32_0 = arith.constant 0 : i32
    return %arg0, %c0_i32 : i32, i32
  }
  func.func @transform_1(%arg0: i32) -> (i32, i32) {
    %c0_i32 = arith.constant 0 : i32
    %c0_i32_0 = arith.constant 0 : i32
    return %c0_i32, %arg0 : i32, i32
  }
  func.func @transform_2(%arg0: i32) -> (i32, i32) {
    %c0_i32 = arith.constant 0 : i32
    %c0_i32_0 = arith.constant 0 : i32
    return %arg0, %c0_i32 : i32, i32
  }
}

module attributes {stable_mosaic.version = 14 : i64} {
  func.func @_mm0_kernel(%arg0: i32, %arg1: memref<2x1024x128xf32, #tpu.memory_space<vmem>>, %arg2: memref<16x1024xf32, #tpu.memory_space<vmem>>, %arg3: memref<16x1024xf32, #tpu.memory_space<vmem>>, %arg4: memref<128x128xf32, #tpu.memory_space<vmem>>, %arg5: memref<1x128xf32, #tpu.memory_space<vmem>>, %arg6: memref<1024x128xf32, #tpu.memory_space<vmem>>) attributes {dimension_semantics = [#tpu.dimension_semantics<arbitrary>], iteration_bounds = array<i64: 10>, scalar_prefetch = 0 : i64, scratch_operands = 0 : i64, tpu.core_type = #tpu.core_type<tc>, window_params = [{transform_indices = @transform_0, window_bounds = array<i64: 2, 1024, 128>}, {transform_indices = @transform_1, window_bounds = array<i64: 16, 1024>}, {transform_indices = @transform_2, window_bounds = array<i64: 16, 1024>}, {pipeline_mode = #tpu.pipeline_mode<synchronous>, transform_indices = @transform_3, window_bounds = array<i64: 128, 128>}, {pipeline_mode = #tpu.pipeline_mode<synchronous>, transform_indices = @transform_4, window_bounds = array<i64: 1, 128>}, {transform_indices = @transform_5, window_bounds = array<i64: 1024, 128>}]} {
    %get3A = arith.constant 0 : index
    %get3A_0 = arith.constant 0 : index
    %get3A_1 = arith.constant 0 : index
    %get3A_2 = vector.load %arg1[%get3A, %get3A_0, %get3A_1] : memref<2x1024x128xf32, #tpu.memory_space<vmem>>, vector<1x1024x128xf32>
    %get3A_3 = vector.shape_cast %get3A_2 : vector<1x1024x128xf32> to vector<1024x128xf32>
    %get3A_4 = arith.constant 1 : index
    %get3A_5 = arith.constant 0 : index
    %get3A_6 = arith.constant 0 : index
    %get3A_7 = vector.load %arg1[%get3A_4, %get3A_5, %get3A_6] : memref<2x1024x128xf32, #tpu.memory_space<vmem>>, vector<1x1024x128xf32>
    %get3A_8 = vector.shape_cast %get3A_7 : vector<1x1024x128xf32> to vector<1024x128xf32>
    %add3A = arith.addf %get3A_3, %get3A_8 : vector<1024x128xf32>
    %get3A_9 = arith.constant 0 : index
    %get3A_10 = arith.constant 0 : index
    %get3A_11 = vector.load %arg2[%get3A_9, %get3A_10] : memref<16x1024xf32, #tpu.memory_space<vmem>>, vector<16x1024xf32>
    %reduce_sum3A = arith.constant dense<0.000000e+00> : vector<1024xf32>
    %reduce_sum3A_12 = vector.multi_reduction <add>, %get3A_11, %reduce_sum3A [0] : vector<16x1024xf32> to vector<1024xf32>
    %broadcast_in_dim3A = vector.shape_cast %reduce_sum3A_12 : vector<1024xf32> to vector<1024x1xf32>
    %max3A = arith.constant 1.000000e+00 : f32
    %max3A_13 = vector.broadcast %max3A : f32 to vector<1024x1xf32>
    %max3A_14 = arith.maximumf %broadcast_in_dim3A, %max3A_13 : vector<1024x1xf32>
    %rsqrt3A = math.rsqrt %max3A_14 : vector<1024x1xf32>
    %mul3A = vector.broadcast %rsqrt3A : vector<1024x1xf32> to vector<1024x128xf32>
    %mul3A_15 = arith.mulf %add3A, %mul3A : vector<1024x128xf32>
    %get3A_16 = arith.constant 0 : index
    %get3A_17 = arith.constant 0 : index
    %get3A_18 = vector.load %arg4[%get3A_16, %get3A_17] : memref<128x128xf32, #tpu.memory_space<vmem>>, vector<128x128xf32>
    %dot_general3A = arith.constant dense<0.000000e+00> : vector<1024x128xf32>
    %dot_general3A_19 = tpu.matmul %mul3A_15, %get3A_18, %dot_general3A {dimension_numbers = #tpu.dot_dimension_numbers<[1], [0], [0], [1], [0, 0, 1, 1], [], []>, transpose_lhs_hint = false} : vector<1024x128xf32>, vector<128x128xf32>, vector<1024x128xf32> -> vector<1024x128xf32>
    %get3A_20 = arith.constant 0 : index
    %get3A_21 = arith.constant 0 : index
    %get3A_22 = vector.load %arg5[%get3A_20, %get3A_21] : memref<1x128xf32, #tpu.memory_space<vmem>>, vector<1x128xf32>
    %add3A_23 = vector.broadcast %get3A_22 : vector<1x128xf32> to vector<1024x128xf32>
    %add3A_24 = arith.addf %dot_general3A_19, %add3A_23 : vector<1024x128xf32>
    %max3A_25 = arith.constant 0.000000e+00 : f32
    %max3A_26 = vector.broadcast %max3A_25 : f32 to vector<1024x128xf32>
    %max3A_27 = arith.maximumf %add3A_24, %max3A_26 : vector<1024x128xf32>
    %get3A_28 = arith.constant 0 : index
    %get3A_29 = arith.constant 0 : index
    %get3A_30 = vector.load %arg3[%get3A_28, %get3A_29] : memref<16x1024xf32, #tpu.memory_space<vmem>>, vector<16x1024xf32>
    %reduce_sum3A_31 = arith.constant dense<0.000000e+00> : vector<1024xf32>
    %reduce_sum3A_32 = vector.multi_reduction <add>, %get3A_30, %reduce_sum3A_31 [0] : vector<16x1024xf32> to vector<1024xf32>
    %broadcast_in_dim3A_33 = vector.shape_cast %reduce_sum3A_32 : vector<1024xf32> to vector<1024x1xf32>
    %max3A_34 = arith.constant 1.000000e+00 : f32
    %max3A_35 = vector.broadcast %max3A_34 : f32 to vector<1024x1xf32>
    %max3A_36 = arith.maximumf %broadcast_in_dim3A_33, %max3A_35 : vector<1024x1xf32>
    %rsqrt3A_37 = math.rsqrt %max3A_36 : vector<1024x1xf32>
    %mul3A_38 = vector.broadcast %rsqrt3A_37 : vector<1024x1xf32> to vector<1024x128xf32>
    %mul3A_39 = arith.mulf %max3A_27, %mul3A_38 : vector<1024x128xf32>
    %swap3A = arith.constant 0 : index
    %swap3A_40 = arith.constant 0 : index
    %swap3A_41 = vector.load %arg6[%swap3A, %swap3A_40] : memref<1024x128xf32, #tpu.memory_space<vmem>>, vector<1024x128xf32>
    tpu.vector_store %arg6[%swap3A, %swap3A_40], %mul3A_39 {strides = array<i32>} : memref<1024x128xf32, #tpu.memory_space<vmem>>, vector<1024x128xf32>,
    return
  }
  func.func @transform_0(%arg0: i32) -> (i32, i32, i32) {
    %c0_i32 = arith.constant 0 : i32
    %c0_i32_0 = arith.constant 0 : i32
    %c0_i32_1 = arith.constant 0 : i32
    return %c0_i32, %arg0, %c0_i32_0 : i32, i32, i32
  }
  func.func @transform_1(%arg0: i32) -> (i32, i32) {
    %c0_i32 = arith.constant 0 : i32
    %c0_i32_0 = arith.constant 0 : i32
    return %c0_i32, %arg0 : i32, i32
  }
  func.func @transform_2(%arg0: i32) -> (i32, i32) {
    %c0_i32 = arith.constant 0 : i32
    %c0_i32_0 = arith.constant 0 : i32
    return %c0_i32, %arg0 : i32, i32
  }
  func.func @transform_3(%arg0: i32) -> (i32, i32) {
    %c0_i32 = arith.constant 0 : i32
    %c0_i32_0 = arith.constant 0 : i32
    %c0_i32_1 = arith.constant 0 : i32
    return %c0_i32, %c0_i32_0 : i32, i32
  }
  func.func @transform_4(%arg0: i32) -> (i32, i32) {
    %c0_i32 = arith.constant 0 : i32
    %c0_i32_0 = arith.constant 0 : i32
    %c0_i32_1 = arith.constant 0 : i32
    return %c0_i32, %c0_i32_0 : i32, i32
  }
  func.func @transform_5(%arg0: i32) -> (i32, i32) {
    %c0_i32 = arith.constant 0 : i32
    %c0_i32_0 = arith.constant 0 : i32
    return %arg0, %c0_i32 : i32, i32
  }
}

module attributes {stable_mosaic.version = 14 : i64} {
  func.func @_mm1_kernel(%arg0: i32, %arg1: memref<2x1024x128xf32, #tpu.memory_space<vmem>>, %arg2: memref<16x1024xf32, #tpu.memory_space<vmem>>, %arg3: memref<128x128xf32, #tpu.memory_space<vmem>>, %arg4: memref<1x128xf32, #tpu.memory_space<vmem>>, %arg5: memref<1024x128xf32, #tpu.memory_space<vmem>>) attributes {dimension_semantics = [#tpu.dimension_semantics<arbitrary>], iteration_bounds = array<i64: 10>, scalar_prefetch = 0 : i64, scratch_operands = 0 : i64, tpu.core_type = #tpu.core_type<tc>, window_params = [{transform_indices = @transform_0, window_bounds = array<i64: 2, 1024, 128>}, {transform_indices = @transform_1, window_bounds = array<i64: 16, 1024>}, {pipeline_mode = #tpu.pipeline_mode<synchronous>, transform_indices = @transform_2, window_bounds = array<i64: 128, 128>}, {pipeline_mode = #tpu.pipeline_mode<synchronous>, transform_indices = @transform_3, window_bounds = array<i64: 1, 128>}, {transform_indices = @transform_4, window_bounds = array<i64: 1024, 128>}]} {
    %get3A = arith.constant 0 : index
    %get3A_0 = arith.constant 0 : index
    %get3A_1 = arith.constant 0 : index
    %get3A_2 = vector.load %arg1[%get3A, %get3A_0, %get3A_1] : memref<2x1024x128xf32, #tpu.memory_space<vmem>>, vector<1x1024x128xf32>
    %get3A_3 = vector.shape_cast %get3A_2 : vector<1x1024x128xf32> to vector<1024x128xf32>
    %get3A_4 = arith.constant 1 : index
    %get3A_5 = arith.constant 0 : index
    %get3A_6 = arith.constant 0 : index
    %get3A_7 = vector.load %arg1[%get3A_4, %get3A_5, %get3A_6] : memref<2x1024x128xf32, #tpu.memory_space<vmem>>, vector<1x1024x128xf32>
    %get3A_8 = vector.shape_cast %get3A_7 : vector<1x1024x128xf32> to vector<1024x128xf32>
    %add3A = arith.addf %get3A_3, %get3A_8 : vector<1024x128xf32>
    %get3A_9 = arith.constant 0 : index
    %get3A_10 = arith.constant 0 : index
    %get3A_11 = vector.load %arg2[%get3A_9, %get3A_10] : memref<16x1024xf32, #tpu.memory_space<vmem>>, vector<16x1024xf32>
    %reduce_sum3A = arith.constant dense<0.000000e+00> : vector<1024xf32>
    %reduce_sum3A_12 = vector.multi_reduction <add>, %get3A_11, %reduce_sum3A [0] : vector<16x1024xf32> to vector<1024xf32>
    %broadcast_in_dim3A = vector.shape_cast %reduce_sum3A_12 : vector<1024xf32> to vector<1024x1xf32>
    %max3A = arith.constant 1.000000e+00 : f32
    %max3A_13 = vector.broadcast %max3A : f32 to vector<1024x1xf32>
    %max3A_14 = arith.maximumf %broadcast_in_dim3A, %max3A_13 : vector<1024x1xf32>
    %rsqrt3A = math.rsqrt %max3A_14 : vector<1024x1xf32>
    %mul3A = vector.broadcast %rsqrt3A : vector<1024x1xf32> to vector<1024x128xf32>
    %mul3A_15 = arith.mulf %add3A, %mul3A : vector<1024x128xf32>
    %get3A_16 = arith.constant 0 : index
    %get3A_17 = arith.constant 0 : index
    %get3A_18 = vector.load %arg3[%get3A_16, %get3A_17] : memref<128x128xf32, #tpu.memory_space<vmem>>, vector<128x128xf32>
    %dot_general3A = arith.constant dense<0.000000e+00> : vector<1024x128xf32>
    %dot_general3A_19 = tpu.matmul %mul3A_15, %get3A_18, %dot_general3A {dimension_numbers = #tpu.dot_dimension_numbers<[1], [0], [0], [1], [0, 0, 1, 1], [], []>, transpose_lhs_hint = false} : vector<1024x128xf32>, vector<128x128xf32>, vector<1024x128xf32> -> vector<1024x128xf32>
    %get3A_20 = arith.constant 0 : index
    %get3A_21 = arith.constant 0 : index
    %get3A_22 = vector.load %arg4[%get3A_20, %get3A_21] : memref<1x128xf32, #tpu.memory_space<vmem>>, vector<1x128xf32>
    %add3A_23 = vector.broadcast %get3A_22 : vector<1x128xf32> to vector<1024x128xf32>
    %add3A_24 = arith.addf %dot_general3A_19, %add3A_23 : vector<1024x128xf32>
    %max3A_25 = arith.constant 0.000000e+00 : f32
    %max3A_26 = vector.broadcast %max3A_25 : f32 to vector<1024x128xf32>
    %max3A_27 = arith.maximumf %add3A_24, %max3A_26 : vector<1024x128xf32>
    %swap3A = arith.constant 0 : index
    %swap3A_28 = arith.constant 0 : index
    %swap3A_29 = vector.load %arg5[%swap3A, %swap3A_28] : memref<1024x128xf32, #tpu.memory_space<vmem>>, vector<1024x128xf32>
    tpu.vector_store %arg5[%swap3A, %swap3A_28], %max3A_27 {strides = array<i32>} : memref<1024x128xf32, #tpu.memory_space<vmem>>, vector<1024x128xf32>,
    return
  }
  func.func @transform_0(%arg0: i32) -> (i32, i32, i32) {
    %c0_i32 = arith.constant 0 : i32
    %c0_i32_0 = arith.constant 0 : i32
    %c0_i32_1 = arith.constant 0 : i32
    return %c0_i32, %arg0, %c0_i32_0 : i32, i32, i32
  }
  func.func @transform_1(%arg0: i32) -> (i32, i32) {
    %c0_i32 = arith.constant 0 : i32
    %c0_i32_0 = arith.constant 0 : i32
    return %c0_i32, %arg0 : i32, i32
  }
  func.func @transform_2(%arg0: i32) -> (i32, i32) {
    %c0_i32 = arith.constant 0 : i32
    %c0_i32_0 = arith.constant 0 : i32
    %c0_i32_1 = arith.constant 0 : i32
    return %c0_i32, %c0_i32_0 : i32, i32
  }
  func.func @transform_3(%arg0: i32) -> (i32, i32) {
    %c0_i32 = arith.constant 0 : i32
    %c0_i32_0 = arith.constant 0 : i32
    %c0_i32_1 = arith.constant 0 : i32
    return %c0_i32, %c0_i32_0 : i32, i32
  }
  func.func @transform_4(%arg0: i32) -> (i32, i32) {
    %c0_i32 = arith.constant 0 : i32
    %c0_i32_0 = arith.constant 0 : i32
    return %arg0, %c0_i32 : i32, i32
  }
}

</mosaic_0001>

<sc_bundles>
// kernel: kernel.11.cloned.1.call-start
scs
__scs_entry_jumppad:
0x0: {  	(pc) =	sbr.rel $0x88, $3  }
0x1: {  	(tag) =	ssettag $0x0;
	lr =	simm.s32 $0x1  }
0x2: {  	[smem:$0x3F9A] =	sst lr;
	_ =	strace $0xD0000000  }
0x3: {  	_ = 	snop  }
0x4: {  	_ = 	snop  }
0x5: {  	_ = 	snop  }
0x6: {  	_ = 	snop  }
0x7: {  	_ = 	snop  }
__scs_overlays_trampoline_lowered:
0x8: {  	[smem:$0x3FA9] =	sst s0  }
0x9: {  	[smem:$0x3FAA] =	sst s1  }
0xa: {  	[smem:$0x3FAB] =	sst s2  }
0xb: {  	[smem:$0x3FAC] =	sst s3  }
0xc: {  	[smem:$0x3FAD] =	sst s4  }
0xd: {  	[smem:$0x3FAE] =	sst s5  }
0xe: {  	[smem:$0x3FAF] =	sst s6  }
0xf: {  	[smem:$0x3FB0] =	sst s7  }
0x10: {  	[smem:$0x3FB1] =	sst s8  }
0x11: {  	[smem:$0x3FB2] =	sst s9;
	s0 =	simm.s32 @!p0 $0x0  }
0x12: {  	s1 =	sld [smem:$0x3F98];
	s0 =	simm.s32 @p0 $0x1  }
0x13: {  	[smem:$0x3FB3] =	sst s0;
	s0 =	simm.s32 @!p1 $0x0  }
0x14: {  	s2 =	sld [smem:$0x3F97];
	s0 =	simm.s32 @p1 $0x1  }
0x15: {  	[smem:$0x3FB4] =	sst s0;
	s0 =	simm.s32 @!p2 $0x0  }
0x16: {  	s3 =	sld [smem:$0x3FDB];
	s0 =	simm.s32 @p2 $0x1  }
0x17: {  	s4 =	simm.s32 $0x1BF5;
	[smem:$0x3FB6] =	sst s0  }
0x18: {  	s0 =	sld [smem:$0x3F99];
	_ =	swait.ge [sflag:s4], $0x0  }
0x19: {  	s7 =	sld [smem:$0x3F9A]  }
0x1a: {  	s8 =	sadd.s32 $0xFFFFE003, lr  }
0x1b: {  	s9 =	sadd.s32 $0xFFFFFEF7, lr;
	s5 =	simm.s32 $0xFFFFFFFF;
	p2 =	slt.u32 s8, $0xFFFFF086  }
0x1c: {  	p1 =	slt.u32 s9, $0xF7A;
	s5 =	simm.s32 @!p2 $0x0  }
0x1d: {  	s5 =	simm.s32 @p1 $0x1;
	p0 =	seq.s32 s7, s2  }
0x1e: {  	s7 =	smul.u32 @!p0 $0xF7A, s2;
	p2 =	seq.s32 @!p0 s5, $0x0  }
0x1f: {  	s9 =	smul.u32 $0xF7A, s1;
	s8 =	simm.s32 @!p0 $0x1BF5;
	p2 =	por !p2, p0  }
0x20: {  	[sflag:s8] =	ssyncset.s32 @!p0 $0xFFFFF086;
	s6 =	sadd.s32 @!p0 s3, s7;
	s7 =	simm.s32 @!p0 $0x108  }
0x21: {  	s3 =	sadd.s32 s3, s9;
	s6 =	sadd.s32 @!p0 $0x88, s6;
	s7 =	simm.s32 @p2 $0x1082  }
0x22: {  	[simem:s7], [sflag:s8] =	dma.local @!p0 [hbm:s6], $0xF7A  }
0x23: {  	s9 =	sor.u32 $0xD0000000, s2;
	s6 =	simm.s32 $0x108;
	_ =	swait.ge @!p0 [sflag:s8], $0x0  }
0x24: {  	s3 =	sadd.s32 $0x88, s3;
	s6 =	simm.s32 @!p1 $0x1082;
	[sflag:s4] =	ssyncset.s32 $0xFFFFF086  }
0x25: {  	[simem:s6], [sflag:s4] =	dma.local [hbm:s3], $0xF7A  }
0x26: {  	[smem:$0x3F9A] =	sst s1;
	(tag) =	ssettag s2;
	_ =	strace s9  }
0x27: {  	s1 =	sld [smem:$0x3FAA]  }
0x28: {  	s2 =	sld [smem:$0x3FAB]  }
0x29: {  	s4 =	sld [smem:$0x3FAD]  }
0x2a: {  	p0 =	seq.s32 s5, $0x0;
	s5 =	sld [smem:$0x3FAE]  }
0x2b: {  	s6 =	sld [smem:$0x3FAF]  }
0x2c: {  	s7 =	sld [smem:$0x3FB0]  }
0x2d: {  	s3 =	simm.s32 $0x108;
	s8 =	sld [smem:$0x3FB1]  }
0x2e: {  	s3 =	simm.s32 @!p0 $0x1082;
	s9 =	sld [smem:$0x3FB2]  }
0x2f: {  	lr =	sadd.s32 s0, s3;
	s0 =	sld [smem:$0x3FA9]  }
0x30: {  	s3 =	sld [smem:$0x3FAC]  }
0x31: {  	[smem:$0x3FB5] =	sst s10  }
0x32: {  	s10 =	sld [smem:$0x3FB3];
	_ =	sdelay $0x3  }
0x33: {  	p0 =	seq.s32 s10, $0x1;
	s10 =	sld [smem:$0x3FB5];
	_ =	sdelay $0x3  }
0x34: {  	[smem:$0x3FB5] =	sst s10  }
0x35: {  	s10 =	sld [smem:$0x3FB4];
	_ =	sdelay $0x3  }
0x36: {  	p1 =	seq.s32 s10, $0x1;
	s10 =	sld [smem:$0x3FB5];
	_ =	sdelay $0x3  }
0x37: {  	[smem:$0x3FB5] =	sst s10  }
0x38: {  	s10 =	sld [smem:$0x3FB6]  }
0x39: {  	_ = 	snop;
	(pc) =	sbr.ind lr, $3  }
0x3a: {  	_ = 	snop  }
0x3b: {  	_ = 	snop  }
0x3c: {  	p2 =	seq.s32 s10, $0x1;
	s10 =	sld [smem:$0x3FB5]  }
0x3d: {  	_ =	shalt  }
0x3e: {  	_ =	shalt  }
0x3f: {  	_ =	shalt  }
0x40: {  	_ =	shalt  }
0x41: {  	_ =	shalt  }
0x42: {  	_ =	shalt  }
0x43: {  	_ =	shalt  }
0x44: {  	_ =	shalt  }
0x45: {  	_ =	shalt  }
0x46: {  	_ =	shalt  }
0x47: {  	_ =	shalt  }
0x48: {  	_ =	shalt  }
0x49: {  	_ =	shalt  }
0x4a: {  	_ =	shalt  }
0x4b: {  	_ =	shalt  }
0x4c: {  	_ =	shalt  }
0x4d: {  	_ =	shalt  }
0x4e: {  	_ =	shalt  }
0x4f: {  	_ =	shalt  }
0x50: {  	_ =	shalt  }
0x51: {  	_ =	shalt  }
0x52: {  	_ =	shalt  }
0x53: {  	_ =	shalt  }
0x54: {  	_ =	shalt  }
0x55: {  	_ =	shalt  }
0x56: {  	_ =	shalt  }
0x57: {  	_ =	shalt  }
0x58: {  	_ =	shalt  }
0x59: {  	_ =	shalt  }
0x5a: {  	_ =	shalt  }
0x5b: {  	_ =	shalt  }
0x5c: {  	_ =	shalt  }
0x5d: {  	_ =	shalt  }
0x5e: {  	_ =	shalt  }
0x5f: {  	_ =	shalt  }
0x60: {  	_ =	shalt  }
0x61: {  	_ =	shalt  }
0x62: {  	_ =	shalt  }
0x63: {  	_ =	shalt  }
0x64: {  	_ =	shalt  }
0x65: {  	_ =	shalt  }
0x66: {  	_ =	shalt  }
0x67: {  	_ =	shalt  }
0x68: {  	_ =	shalt  }
0x69: {  	_ =	shalt  }
0x6a: {  	_ =	shalt  }
0x6b: {  	_ =	shalt  }
0x6c: {  	_ =	shalt  }
0x6d: {  	_ =	shalt  }
0x6e: {  	_ =	shalt  }
0x6f: {  	_ =	shalt  }
0x70: {  	_ =	shalt  }
0x71: {  	_ =	shalt  }
0x72: {  	_ =	shalt  }
0x73: {  	_ =	shalt  }
0x74: {  	_ =	shalt  }
0x75: {  	_ =	shalt  }
0x76: {  	_ =	shalt  }
0x77: {  	_ =	shalt  }
0x78: {  	_ =	shalt  }
0x79: {  	_ =	shalt  }
0x7a: {  	_ =	shalt  }
0x7b: {  	_ =	shalt  }
0x7c: {  	_ =	shalt  }
0x7d: {  	_ =	shalt  }
0x7e: {  	_ =	shalt  }
0x7f: {  	_ =	shalt  }
0x80: {  	_ =	shalt  }
0x81: {  	_ =	shalt  }
0x82: {  	_ =	shalt  }
0x83: {  	_ =	shalt  }
0x84: {  	_ =	shalt  }
0x85: {  	_ =	shalt  }
0x86: {  	_ =	shalt  }
0x87: {  	_ =	shalt  }
.Lfunc_end0:
.L_simem_size_0:
called_computation.1_lowered:
.L_overlay_start_0:
0x88: {  	s2 =	sld [smem:$0x3FD9]  }
0x89: {  	s3 =	sld [smem:$0x3FFE];
	_ =	sdelay $0x1  }
0x8a: {  	s1 =	srdreg.scid  }
0x8b: {  	s0 =	sand.u32 $0x1, s1  }
0x8c: {  	s17 =	sshll.u32 s0, $0xA;
	s2 =	sadd.s32 s3, s2  }
0x8d: {  	s2 =	sadd.s32 s2, s17  }
0x8e: {  	[smem:$0x3FC1] =	sst s2  }
0x8f: {  	_ = 	snop  }
0x90: {  	s2 =	sld [smem:$0x3FD0];
	(tm) =	ssettm $0x1  }
0x91: {  	s18 =	sld [smem:$0x3FFB];
	_ =	sdelay $0x3  }
0x92: {  	_ =	strace s18  }
0x93: {  	s3 =	sld [smem:$0x3FFC];
	_ =	sdelay $0x3  }
0x94: {  	_ =	strace s3  }
0x95: {  	s3 =	sld [smem:$0x3FFD];
	_ =	sdelay $0x3  }
0x96: {  	_ =	strace s3  }
0x97: {  	_ =	strace $0x8FFFFFFF  }
0x98: {  	s19 =	sld [smem:$0x3FDB];
	_ =	sdelay $0x1  }
0x99: {  	s4 =	simm.s32 $_scs_section_size  }
0x9a: {  	s5 =	simm.s32 $_size__tile_overlayer_lowered;
	s6 =	simm.s32 $_tile_overlayer_lowered  }
0x9b: {  	s22 =	simm.s32 $0x1BFF;
	s21 =	sshll.u32 s6, $0x1;
	s3 =	sadd.s32 s4, s19  }
0x9c: {  	s7 =	simm.s32 $0x0;
	s20 =	sshll.u32 s5, $0x1;
	s5 =	sadd.s32 s21, s3  }
0x9d: {  	[timem:s7], [sflag:s22] =	dma.local [hbm:s5], s20  }
0x9e: {  	_ =	swait.ge [sflag:s22], s20  }
0x9f: {  	s4 =	ssub.s32 $0x0, s20;
	[sflag:s22] =	ssyncset.done $0x0  }
0xa0: {  	[sflag:s22] =	ssyncadd.s32 s4;
	_ =	sdelay $0x1  }
0xa1: {  	s23 =	simm.s32 $0x1B8B  }
0xa2: {  	_ =	swait.ge [sflag:s23], $0x1  }
0xa3: {  	[sflag:s23] =	ssyncset.done $0x0  }
0xa4: {  	s25 =	simm.s32 $0x1B8E;
	s24 =	sld [smem:$0x3FFE];
	[sflag:s23] =	ssyncadd.s32 $0xFFFFFFFF  }
0xa5: {  	s26 =	simm.s32 $execute0_lowered;
	[smem:$0x3FD2] =	sst s25  }
0xa6: {  	s5 =	sshll.u32 s26, $0x1;
	_ =	strace $0x80000049;
	[dreg:$0x1] =	wrdreg $0xFFFFFFFF  }
0xa7: {  	s28 =	simm.s32 $_size_execute0_lowered;
	s3 =	sadd.s32 s3, s5;
	[dreg:$0x0] =	wrdreg $0x0  }
0xa8: {  	s5 =	sshll.u32 s28, $0x1;
	[dreg:$0x2] =	wrdreg s3  }
0xa9: {  	[dreg:$0x3] =	wrdreg s5  }
0xaa: {  	[dreg:$0x4] =	wrdreg $0xC0  }
0xab: {  	_ =	task [dreg:s7], $0x5FFFF  }
0xac: {  	[dreg:$0x1] =	wrdreg $0xFFFFFFFF  }
0xad: {  	[dreg:$0x0] =	wrdreg $0x60  }
0xae: {  	[dreg:$0x2] =	wrdreg s2  }
0xaf: {  	[dreg:$0x3] =	wrdreg s24  }
0xb0: {  	[dreg:$0x4] =	wrdreg $0x0  }
0xb1: {  	[dreg:$0x5] =	wrdreg $0x9  }
0xb2: {  	_ =	task.clear_ibuf [dreg:s7], $0x6FFFF;
	_ =	strace $0x90000049  }
0xb3: {  	s29 =	simm.s32 $0x9;
	_ =	strace $0x8000004B  }
0xb4: {  	_ =	swait.ge [sflag:s29], $0x1  }
0xb5: {  	[sflag:s29] =	ssyncadd.s32 $0xFFFFFFFF  }
0xb6: {  	_ =	strace $0x9000004B  }
0xb7: {  	_ =	sfence  }
0xb8: {  	s30 =	sld [smem:$0x0];
	_ =	sdelay $0x2  }
0xb9: {  	s31 =	sshll.u32 s1, $0xD;
	s1 =	sshrl.u32 s1, $0x2  }
0xba: {  	s3 =	sand.u32 $0x4000, s31;
	s1 =	sadd.s32 s1, s30  }
0xbb: {  	s0 =	sor.u32 s3, s0;
	s1 =	sshll.u32 s1, $0x11  }
0xbc: {  	s0 =	sor.u32 s1, s0  }
0xbd: {  	s0 =	sadd.s32 $0x8F2B, s0  }
0xbe: {  	[sflag:s0] =	ssyncadd.remote.s32 $0x1  }
0xbf: {  	_ =	sfence.sel $0xFFFF  }
0xc0: {  	[dreg:$0x0] =	wrdreg $0xFFFFFFFF;
	(pc) =	sbr.abs _section_cstart, $3  }
0xc1: {  	[dreg:$0x1] =	wrdreg $0xFFFFFFFF  }
0xc2: {  	_ =	task.clear_ibuf [dreg:s7], $0x2FFFF;
	_ =	strace $0x9FFFFFFF  }
0xc3: {  	(tm) =	ssettm $0x7FFFFFFF  }
tec
execute0_lowered:
.L_overlay_start_1:
0x0: {  	(tag) =	ssettag $0x1  }
0x1: {  	s1 =	rddreg [dreg:$0x0]  }
0x2: {  	s6 =	rddreg [dreg:$0x1]  }
0x3: {  	s0 =	srdreg.scid;
	s3 =	rddreg [dreg:$0x2];
	s4 =	simm.s32 $0x0  }
0x4: {  	s16 =	simm.s32 $0x15400;
	s17 =	simm.s32 $0x80;
	s18 =	simm.s32 $0x16800  }
0x5: {  	s19 =	simm.s32 $0x1;
	s20 =	simm.s32 $0x14080;
	s5 =	sand.u32 $0x1, s0  }
0x6: {  	s21 =	simm.s32 $0x1A800;
	s0 =	stileid.u32;
	s8 =	smul.u32 $0x138800, s5  }
0x7: {  	s22 =	simm.s32 $0x2;
	s28 =	simm.s32 $0x0;
	s9 =	smul.u32 $0x1F400, s0  }
0x8: {  	[smem:$0x7FF] =	sst s4;
	s2 =	sshll.u32 s5, $0x4;
	s10 =	smul.u32 $0x2800, s0  }
0x9: {  	s24 =	smul.u32 $0x50000, s0;
	s5 =	ssub.s32 $0x2, s5;
	s30 =	sshll.u32 s0, $0x6  }
0xa: {  	s15 =	smul.u32 $0x7D000, s0;
	p0 =	sgt.u32 s0, $0x9;
	s2 =	sor.u32 s0, s2  }
0xb: {  	s26 =	sshrl.u32 s5, $0x1;
	s7 =	smul.u32 $0x2800, s2;
	s2 =	rddreg [dreg:$0x3]  }
0xc: {  	_ =	strace $0x8000004A;
	s23 =	sadd.s32 s9, s8;
	s25 =	sadd.s32 s10, s6  }
0xd: {  	s29 =	sshrl.u32 s24, $0x2;
	s13 =	ssub.s32 s5, s26;
	s31 =	sshrl.u32 s15, $0x2  }
0xe: {  	s15 =	simm.s32 $0x14000;
	s24 =	simm.s32 $0x14100;
	s26 =	simm.s32 $0x16700  }
0xf: {  	s14 =	sadd.s32 s29, s3;
	s5 =	sadd.s32 $0x1800, s25;
	s7 =	sshrl.u32 s7, $0x3  }
0x10: {  	s25 =	sadd.s32 s31, s3;
	s11 =	sadd.s32 s7, s6;
	s7 =	sshrl.u32 s23, $0x3  }
0x11: {  	s25 =	sshrl.u32 @!p0 s25, $0x3;
	s23 =	simm.s32 $0x15480;
	s12 =	sadd.s32 s7, s6  }
0x12: {  	s6 =	sor.u32 $0x1C03, s30;
	s7 =	sadd.s32 $0x29800, s11;
	s8 =	sadd.s32 $0x33800, s11  }
0x13: {  	s9 =	sadd.s32 $0x29A80, s11;
	s10 =	sadd.s32 $0x33A80, s11;
	s11 =	sadd.s32 $0x3D800, s12  }
0x14: {  	s12 =	smax.u32 s13, $0x1;
	s13 =	sshrl.u32 s14, $0x3;
	s14 =	simm.s32 $0x3  }
.LBB2_1:
0x15: {  	[spmem:s13], [sflag:s6] =	dma.local [hbm:s5], $0x2800  }
0x16: {  	_ =	swait.ge [sflag:s14], $0x2800  }
0x17: {  	[sflag:s14] =	ssyncset.done $0x0  }
0x18: {  	[sflag:s14] =	ssyncadd.s32 $0xFFFFD800  }
0x19: {  	[tilespmem:s15], [sflag:$0x3] =	stream.linear.gather [hbm4b:s7+s4], $0x1400, $0x38;
	[tilespmem:$0x1E800] =	vst v63  }
0x1a: {  	_ =	swait.ge [sflag:s14], $0x1400  }
0x1b: {  	[sflag:s14] =	ssyncset.done $0x0  }
0x1c: {  	[sflag:s14] =	ssyncadd.s32 $0xFFFFEC00  }
0x1d: {  	[tilespmem:s16], [sflag:$0x3] =	stream.linear.gather [hbm4b:s8+s4], $0x1400, $0x38;
	[tilespmem:$0x1E800] =	vst v63  }
0x1e: {  	_ =	swait.ge [sflag:s14], $0x1400  }
0x1f: {  	[sflag:s14] =	ssyncset.done $0x0  }
0x20: {  	[sflag:s14] =	ssyncadd.s32 $0xFFFFEC00  }
0x21: {  	[bflag:$0x0] =	sbarrier.arrive $0xFFFF  }
0x22: {  	[tilespmem:s18], [sflag:$0x1] =	stream.indirect.gather [hbm4b:s1+s17], $0x80, s15, s17, $0xb8;
	[tilespmem:$0x1E800] =	vst v63  }
0x23: {  	_ =	swait.ge [sflag:s19], $0x4000  }
0x24: {  	[sflag:s19] =	ssyncset.done $0x0  }
0x25: {  	[sflag:s19] =	ssyncadd.s32 $0xFFFFC000  }
0x26: {  	[spmem:s3] =	stream.indirect.scatter.add.f32 [tilespmem:s18], [sflag:$0x2], $0x80, s16, s17, $0xb8;
	[tilespmem:$0x1E800] =	vst v63  }
0x27: {  	_ = 	snop  }
0x28: {  	[tilespmem:s21], [sflag:$0x1] =	stream.indirect.gather [hbm4b:s1+s17], $0x80, s20, s17, $0xb8;
	[tilespmem:$0x1E800] =	vst v63  }
0x29: {  	_ =	swait.ge [sflag:s19], $0x4000  }
0x2a: {  	[sflag:s19] =	ssyncset.done $0x0  }
0x2b: {  	[sflag:s19] =	ssyncadd.s32 $0xFFFFC000  }
0x2c: {  	_ =	swait.ge [sflag:s22], $0x4000  }
0x2d: {  	[sflag:s22] =	ssyncset.done $0x0  }
0x2e: {  	[sflag:s22] =	ssyncadd.s32 $0xFFFFC000  }
0x2f: {  	[spmem:s3] =	stream.indirect.scatter.add.f32 [tilespmem:s21], [sflag:$0x2], $0x80, s23, s17, $0xb8;
	[tilespmem:$0x1E800] =	vst v63  }
0x30: {  	s29 =	simm.s32 $0x800  }
0x31: {  	[tilespmem:s18], [sflag:$0x1] =	stream.indirect.gather [hbm4b:s1+s17], $0x80, s24, s17, $0xb8;
	[tilespmem:$0x1E800] =	vst v63  }
.LBB2_2:
0x32: {  	_ =	swait.ge [sflag:s19], $0x4000  }
0x33: {  	[sflag:s19] =	ssyncset.done $0x0  }
0x34: {  	[sflag:s19] =	ssyncadd.s32 $0xFFFFC000  }
0x35: {  	_ =	swait.ge [sflag:s22], $0x4000  }
0x36: {  	s30 =	sshra.s32 s29, $0x2;
	[sflag:s22] =	ssyncset.done $0x0  }
0x37: {  	s31 =	sadd.s32 $0x15300, s30;
	[sflag:s22] =	ssyncadd.s32 $0xFFFFC000  }
0x38: {  	[spmem:s3] =	stream.indirect.scatter.add.f32 [tilespmem:s18], [sflag:$0x2], $0x80, s31, s17, $0xb8;
	[tilespmem:$0x1E800] =	vst v63  }
0x39: {  	s31 =	sadd.s32 $0x13F80, s30  }
0x3a: {  	[tilespmem:s21], [sflag:$0x1] =	stream.indirect.gather [hbm4b:s1+s17], $0x80, s31, s17, $0xb8;
	[tilespmem:$0x1E800] =	vst v63  }
0x3b: {  	_ =	swait.ge [sflag:s19], $0x4000  }
0x3c: {  	p1 =	seq.s32 s29, $0x5000;
	[sflag:s19] =	ssyncset.done $0x0  }
.Ltmp0:
0x3d: {  	[sflag:s19] =	ssyncadd.s32 $0xFFFFC000;
	(pc) =	sbr.rel @p1 .LBB2_4-.Ltmp0, $4  }
0x3e: {  	_ =	swait.ge [sflag:s22], $0x4000  }
0x3f: {  	[sflag:s22] =	ssyncset.done $0x0  }
0x40: {  	s31 =	sadd.s32 $0x15380, s30;
	[sflag:s22] =	ssyncadd.s32 $0xFFFFC000  }
0x41: {  	[spmem:s3] =	stream.indirect.scatter.add.f32 [tilespmem:s21], [sflag:$0x2], $0x80, s31, s17, $0xb8;
	[tilespmem:$0x1E800] =	vst v63  }
.Ltmp1:
0x42: {  	(pc) =	sbr.rel .LBB2_2-.Ltmp1, $3  }
0x43: {  	_ =	sdelay $0x1  }
0x44: {  	s30 =	sadd.s32 $0x14000, s30;
	s29 =	sadd.s32 $0x400, s29  }
0x45: {  	[tilespmem:s18], [sflag:$0x1] =	stream.indirect.gather [hbm4b:s1+s17], $0x80, s30, s17, $0xb8;
	[tilespmem:$0x1E800] =	vst v63  }
.LBB2_4:
0x46: {  	_ =	swait.ge [sflag:s22], $0x4000  }
0x47: {  	[sflag:s22] =	ssyncset.done $0x0  }
0x48: {  	[sflag:s22] =	ssyncadd.s32 $0xFFFFC000  }
0x49: {  	[tilespmem:s15], [sflag:$0x3] =	stream.linear.gather [hbm4b:s9+s4], $0x1380, $0x38;
	[tilespmem:$0x1E800] =	vst v63  }
0x4a: {  	_ =	swait.ge [sflag:s14], $0x1380  }
0x4b: {  	[sflag:s14] =	ssyncset.done $0x0  }
0x4c: {  	[sflag:s14] =	ssyncadd.s32 $0xFFFFEC80  }
0x4d: {  	[tilespmem:s16], [sflag:$0x3] =	stream.linear.gather [hbm4b:s10+s4], $0x1380, $0x38;
	[tilespmem:$0x1E800] =	vst v63  }
0x4e: {  	_ =	swait.ge [sflag:s14], $0x1380  }
0x4f: {  	[sflag:s14] =	ssyncset.done $0x0  }
0x50: {  	[sflag:s14] =	ssyncadd.s32 $0xFFFFEC80  }
0x51: {  	[tilespmem:s18], [sflag:$0x1] =	stream.indirect.gather [hbm4b:s1+s17], $0x80, s15, s17, $0xb8;
	[tilespmem:$0x1E800] =	vst v63  }
0x52: {  	_ =	swait.ge [sflag:s19], $0x4000  }
0x53: {  	[sflag:s19] =	ssyncset.done $0x0  }
0x54: {  	[sflag:s19] =	ssyncadd.s32 $0xFFFFC000  }
0x55: {  	[spmem:s3] =	stream.indirect.scatter.add.f32 [tilespmem:s18], [sflag:$0x2], $0x80, s16, s17, $0xb8;
	[tilespmem:$0x1E800] =	vst v63  }
0x56: {  	_ = 	snop  }
0x57: {  	[tilespmem:s21], [sflag:$0x1] =	stream.indirect.gather [hbm4b:s1+s17], $0x80, s20, s17, $0xb8;
	[tilespmem:$0x1E800] =	vst v63  }
0x58: {  	_ =	swait.ge [sflag:s19], $0x4000  }
0x59: {  	[sflag:s19] =	ssyncset.done $0x0  }
0x5a: {  	[sflag:s19] =	ssyncadd.s32 $0xFFFFC000  }
0x5b: {  	_ =	swait.ge [sflag:s22], $0x4000  }
0x5c: {  	[sflag:s22] =	ssyncset.done $0x0  }
0x5d: {  	[sflag:s22] =	ssyncadd.s32 $0xFFFFC000  }
0x5e: {  	[spmem:s3] =	stream.indirect.scatter.add.f32 [tilespmem:s21], [sflag:$0x2], $0x80, s23, s17, $0xb8;
	[tilespmem:$0x1E800] =	vst v63  }
0x5f: {  	_ = 	snop  }
0x60: {  	[tilespmem:s18], [sflag:$0x1] =	stream.indirect.gather [hbm4b:s1+s17], $0x80, s24, s17, $0xb8;
	[tilespmem:$0x1E800] =	vst v63  }
0x61: {  	_ =	swait.ge [sflag:s19], $0x4000  }
0x62: {  	[sflag:s19] =	ssyncset.done $0x0  }
0x63: {  	[sflag:s19] =	ssyncadd.s32 $0xFFFFC000  }
0x64: {  	_ =	swait.ge [sflag:s22], $0x4000  }
0x65: {  	[sflag:s22] =	ssyncset.done $0x0  }
0x66: {  	s29 =	simm.s32 $0x15500;
	[sflag:s22] =	ssyncadd.s32 $0xFFFFC000  }
0x67: {  	[spmem:s3] =	stream.indirect.scatter.add.f32 [tilespmem:s18], [sflag:$0x2], $0x80, s29, s17, $0xb8;
	[tilespmem:$0x1E800] =	vst v63  }
0x68: {  	s29 =	simm.s32 $0x14180  }
0x69: {  	[tilespmem:s21], [sflag:$0x1] =	stream.indirect.gather [hbm4b:s1+s17], $0x80, s29, s17, $0xb8;
	[tilespmem:$0x1E800] =	vst v63  }
0x6a: {  	_ =	swait.ge [sflag:s19], $0x4000  }
0x6b: {  	[sflag:s19] =	ssyncset.done $0x0  }
0x6c: {  	[sflag:s19] =	ssyncadd.s32 $0xFFFFC000  }
0x6d: {  	_ =	swait.ge [sflag:s22], $0x4000  }
0x6e: {  	[sflag:s22] =	ssyncset.done $0x0  }
0x6f: {  	s29 =	simm.s32 $0x15580;
	[sflag:s22] =	ssyncadd.s32 $0xFFFFC000  }
0x70: {  	[spmem:s3] =	stream.indirect.scatter.add.f32 [tilespmem:s21], [sflag:$0x2], $0x80, s29, s17, $0xb8;
	[tilespmem:$0x1E800] =	vst v63  }
0x71: {  	s30 =	simm.s32 $0x14200;
	s29 =	simm.s32 $0xC00  }
.LBB2_5:
0x72: {  	[tilespmem:s18], [sflag:$0x1] =	stream.indirect.gather [hbm4b:s1+s17], $0x80, s30, s17, $0xb8;
	[tilespmem:$0x1E800] =	vst v63  }
0x73: {  	s30 =	smov.u32 s29  }
0x74: {  	p1 =	sne.s32 s29, $0x4C00;
	s29 =	sadd.s32 $0x400, s29;
	_ =	swait.ge [sflag:s19], $0x4000  }
0x75: {  	[sflag:s19] =	ssyncset.done $0x0  }
0x76: {  	[sflag:s19] =	ssyncadd.s32 $0xFFFFC000  }
0x77: {  	_ =	swait.ge [sflag:s22], $0x4000  }
0x78: {  	s30 =	sshra.s32 s30, $0x2;
	[sflag:s22] =	ssyncset.done $0x0  }
0x79: {  	s31 =	sadd.s32 $0x15300, s30;
	[sflag:s22] =	ssyncadd.s32 $0xFFFFC000  }
0x7a: {  	[spmem:s3] =	stream.indirect.scatter.add.f32 [tilespmem:s18], [sflag:$0x2], $0x80, s31, s17, $0xb8;
	[tilespmem:$0x1E800] =	vst v63  }
0x7b: {  	s31 =	sadd.s32 $0x13F80, s30  }
0x7c: {  	[tilespmem:s21], [sflag:$0x1] =	stream.indirect.gather [hbm4b:s1+s17], $0x80, s31, s17, $0xb8;
	[tilespmem:$0x1E800] =	vst v63  }
0x7d: {  	_ =	swait.ge [sflag:s19], $0x4000  }
0x7e: {  	[sflag:s19] =	ssyncset.done $0x0  }
0x7f: {  	[sflag:s19] =	ssyncadd.s32 $0xFFFFC000  }
.Ltmp2:
0x80: {  	_ =	swait.ge [sflag:s22], $0x4000;
	(pc) =	sbr.rel @p1 .LBB2_5-.Ltmp2, $4  }
0x81: {  	[sflag:s22] =	ssyncset.done $0x0  }
0x82: {  	s31 =	sadd.s32 $0x15380, s30;
	[sflag:s22] =	ssyncadd.s32 $0xFFFFC000  }
0x83: {  	[spmem:s3] =	stream.indirect.scatter.add.f32 [tilespmem:s21], [sflag:$0x2], $0x80, s31, s17, $0xb8;
	[tilespmem:$0x1E800] =	vst v63  }
0x84: {  	s30 =	sadd.s32 $0x14000, s30  }
0x85: {  	[tilespmem:s18], [sflag:$0x1] =	stream.indirect.gather [hbm4b:s1+s17], $0x80, s30, s17, $0xb8;
	[tilespmem:$0x1E800] =	vst v63  }
0x86: {  	_ =	swait.ge [sflag:s19], $0x4000  }
0x87: {  	[sflag:s19] =	ssyncset.done $0x0  }
0x88: {  	[sflag:s19] =	ssyncadd.s32 $0xFFFFC000  }
0x89: {  	_ =	swait.ge [sflag:s22], $0x4000  }
0x8a: {  	[sflag:s22] =	ssyncset.done $0x0  }
0x8b: {  	[sflag:s22] =	ssyncadd.s32 $0xFFFFC000  }
0x8c: {  	[spmem:s3] =	stream.indirect.scatter.add.f32 [tilespmem:s18], [sflag:$0x2], $0x80, s26, s17, $0xb8;
	[tilespmem:$0x1E800] =	vst v63  }
0x8d: {  	_ =	swait.ge [sflag:s22], $0x4000  }
0x8e: {  	s28 =	sadd.s32 $0x1, s28;
	[sflag:s22] =	ssyncset.done $0x0  }
0x8f: {  	p1 =	sne.s32 s28, s12;
	[sflag:s22] =	ssyncadd.s32 $0xFFFFC000  }
.Ltmp3:
0x90: {  	s29 =	simm.s32 @!p0 $0x3;
	[bflag:$0x0] =	sbarrier.arrive $0xFFFF;
	(pc) =	sbr.rel @p1 .LBB2_1-.Ltmp3, $4  }
0x91: {  	[hbm:s11], [sflag:s6] =	dma.local @!p0 [spmem:s25], $0x3E80  }
0x92: {  	_ =	swait.ge @!p0 [sflag:s29], $0x3E80  }
0x93: {  	[sflag:s29] =	ssyncset.done @!p0 $0x0  }
0x94: {  	[sflag:s29] =	ssyncadd.s32 @!p0 $0xFFFFC180  }
0x95: {  	_ =	sfence.sel $0x180000  }
0x96: {  	[bflag:$0x0] =	sbarrier.arrive $0xFFFF  }
0x97: {  	p0 =	sne.s32 s0, $0x0;
	_ =	strace $0x9000004A  }
0x98: {  	s0 =	sadd.s32 @!p0 $0x100000, s2;
	[bflag:$0x2] =	sbarrier.arrive $0xFFFF  }
0x99: {  	[sflag:s0] =	ssyncadd.tile.s32 @!p0 $0x1;
	_ =	shalt  }
.Lfunc_end2:
_tile_overlayer_lowered:
.L_overlay_start_2:
0x9a: {  	(tag) =	ssettag $0x2  }
0x9b: {  	s0 =	rddreg [dreg:$0x0];
	s2 =	stileid.u32  }
0x9c: {  	s1 =	rddreg [dreg:$0x1];
	p0 =	sne.s32 s2, $0x0  }
0x9d: {  	s3 =	rddreg [dreg:$0x2];
	[bflag:$0x3] =	sbarrier.arrive $0xFFFF;
	s2 =	simm.s32 @!p0 $0x1C03  }
0x9e: {  	[timem:s3], [sflag:s2] =	dma.local @!p0 [hbm:s0], s1  }
0x9f: {  	s0 =	simm.s32 @!p0 $0x3  }
0xa0: {  	_ =	swait.ge @!p0 [sflag:s0], s1  }
0xa1: {  	s1 =	ssub.s32 @!p0 $0x0, s1;
	[sflag:s0] =	ssyncset.done @!p0 $0x0  }
0xa2: {  	[sflag:s0] =	ssyncadd.s32 @!p0 s1  }
0xa3: {  	[bflag:$0x3] =	sbarrier.arrive $0xFFFF  }
0xa4: {  	_ =	shalt  }

// kernel: kernel.14.cloned.1.call-start
scs
__scs_entry_jumppad:
0x0: {  	(pc) =	sbr.rel $0x88, $3  }
0x1: {  	(tag) =	ssettag $0x0;
	lr =	simm.s32 $0x1  }
0x2: {  	[smem:$0x3F9A] =	sst lr;
	_ =	strace $0xD0000000  }
0x3: {  	_ = 	snop  }
0x4: {  	_ = 	snop  }
0x5: {  	_ = 	snop  }
0x6: {  	_ = 	snop  }
0x7: {  	_ = 	snop  }
__scs_overlays_trampoline_lowered:
0x8: {  	[smem:$0x3FA9] =	sst s0  }
0x9: {  	[smem:$0x3FAA] =	sst s1  }
0xa: {  	[smem:$0x3FAB] =	sst s2  }
0xb: {  	[smem:$0x3FAC] =	sst s3  }
0xc: {  	[smem:$0x3FAD] =	sst s4  }
0xd: {  	[smem:$0x3FAE] =	sst s5  }
0xe: {  	[smem:$0x3FAF] =	sst s6  }
0xf: {  	[smem:$0x3FB0] =	sst s7  }
0x10: {  	[smem:$0x3FB1] =	sst s8  }
0x11: {  	[smem:$0x3FB2] =	sst s9;
	s0 =	simm.s32 @!p0 $0x0  }
0x12: {  	s1 =	sld [smem:$0x3F98];
	s0 =	simm.s32 @p0 $0x1  }
0x13: {  	[smem:$0x3FB3] =	sst s0;
	s0 =	simm.s32 @!p1 $0x0  }
0x14: {  	s2 =	sld [smem:$0x3F97];
	s0 =	simm.s32 @p1 $0x1  }
0x15: {  	[smem:$0x3FB4] =	sst s0;
	s0 =	simm.s32 @!p2 $0x0  }
0x16: {  	s3 =	sld [smem:$0x3FDB];
	s0 =	simm.s32 @p2 $0x1  }
0x17: {  	s4 =	simm.s32 $0x1BF5;
	[smem:$0x3FB6] =	sst s0  }
0x18: {  	s0 =	sld [smem:$0x3F99];
	_ =	swait.ge [sflag:s4], $0x0  }
0x19: {  	s7 =	sld [smem:$0x3F9A]  }
0x1a: {  	s8 =	sadd.s32 $0xFFFFE003, lr  }
0x1b: {  	s9 =	sadd.s32 $0xFFFFFEF7, lr;
	s5 =	simm.s32 $0xFFFFFFFF;
	p2 =	slt.u32 s8, $0xFFFFF086  }
0x1c: {  	p1 =	slt.u32 s9, $0xF7A;
	s5 =	simm.s32 @!p2 $0x0  }
0x1d: {  	s5 =	simm.s32 @p1 $0x1;
	p0 =	seq.s32 s7, s2  }
0x1e: {  	s7 =	smul.u32 @!p0 $0xF7A, s2;
	p2 =	seq.s32 @!p0 s5, $0x0  }
0x1f: {  	s9 =	smul.u32 $0xF7A, s1;
	s8 =	simm.s32 @!p0 $0x1BF5;
	p2 =	por !p2, p0  }
0x20: {  	[sflag:s8] =	ssyncset.s32 @!p0 $0xFFFFF086;
	s6 =	sadd.s32 @!p0 s3, s7;
	s7 =	simm.s32 @!p0 $0x108  }
0x21: {  	s3 =	sadd.s32 s3, s9;
	s6 =	sadd.s32 @!p0 $0x88, s6;
	s7 =	simm.s32 @p2 $0x1082  }
0x22: {  	[simem:s7], [sflag:s8] =	dma.local @!p0 [hbm:s6], $0xF7A  }
0x23: {  	s9 =	sor.u32 $0xD0000000, s2;
	s6 =	simm.s32 $0x108;
	_ =	swait.ge @!p0 [sflag:s8], $0x0  }
0x24: {  	s3 =	sadd.s32 $0x88, s3;
	s6 =	simm.s32 @!p1 $0x1082;
	[sflag:s4] =	ssyncset.s32 $0xFFFFF086  }
0x25: {  	[simem:s6], [sflag:s4] =	dma.local [hbm:s3], $0xF7A  }
0x26: {  	[smem:$0x3F9A] =	sst s1;
	(tag) =	ssettag s2;
	_ =	strace s9  }
0x27: {  	s1 =	sld [smem:$0x3FAA]  }
0x28: {  	s2 =	sld [smem:$0x3FAB]  }
0x29: {  	s4 =	sld [smem:$0x3FAD]  }
0x2a: {  	p0 =	seq.s32 s5, $0x0;
	s5 =	sld [smem:$0x3FAE]  }
0x2b: {  	s6 =	sld [smem:$0x3FAF]  }
0x2c: {  	s7 =	sld [smem:$0x3FB0]  }
0x2d: {  	s3 =	simm.s32 $0x108;
	s8 =	sld [smem:$0x3FB1]  }
0x2e: {  	s3 =	simm.s32 @!p0 $0x1082;
	s9 =	sld [smem:$0x3FB2]  }
0x2f: {  	lr =	sadd.s32 s0, s3;
	s0 =	sld [smem:$0x3FA9]  }
0x30: {  	s3 =	sld [smem:$0x3FAC]  }
0x31: {  	[smem:$0x3FB5] =	sst s10  }
0x32: {  	s10 =	sld [smem:$0x3FB3];
	_ =	sdelay $0x3  }
0x33: {  	p0 =	seq.s32 s10, $0x1;
	s10 =	sld [smem:$0x3FB5];
	_ =	sdelay $0x3  }
0x34: {  	[smem:$0x3FB5] =	sst s10  }
0x35: {  	s10 =	sld [smem:$0x3FB4];
	_ =	sdelay $0x3  }
0x36: {  	p1 =	seq.s32 s10, $0x1;
	s10 =	sld [smem:$0x3FB5];
	_ =	sdelay $0x3  }
0x37: {  	[smem:$0x3FB5] =	sst s10  }
0x38: {  	s10 =	sld [smem:$0x3FB6]  }
0x39: {  	_ = 	snop;
	(pc) =	sbr.ind lr, $3  }
0x3a: {  	_ = 	snop  }
0x3b: {  	_ = 	snop  }
0x3c: {  	p2 =	seq.s32 s10, $0x1;
	s10 =	sld [smem:$0x3FB5]  }
0x3d: {  	_ =	shalt  }
0x3e: {  	_ =	shalt  }
0x3f: {  	_ =	shalt  }
0x40: {  	_ =	shalt  }
0x41: {  	_ =	shalt  }
0x42: {  	_ =	shalt  }
0x43: {  	_ =	shalt  }
0x44: {  	_ =	shalt  }
0x45: {  	_ =	shalt  }
0x46: {  	_ =	shalt  }
0x47: {  	_ =	shalt  }
0x48: {  	_ =	shalt  }
0x49: {  	_ =	shalt  }
0x4a: {  	_ =	shalt  }
0x4b: {  	_ =	shalt  }
0x4c: {  	_ =	shalt  }
0x4d: {  	_ =	shalt  }
0x4e: {  	_ =	shalt  }
0x4f: {  	_ =	shalt  }
0x50: {  	_ =	shalt  }
0x51: {  	_ =	shalt  }
0x52: {  	_ =	shalt  }
0x53: {  	_ =	shalt  }
0x54: {  	_ =	shalt  }
0x55: {  	_ =	shalt  }
0x56: {  	_ =	shalt  }
0x57: {  	_ =	shalt  }
0x58: {  	_ =	shalt  }
0x59: {  	_ =	shalt  }
0x5a: {  	_ =	shalt  }
0x5b: {  	_ =	shalt  }
0x5c: {  	_ =	shalt  }
0x5d: {  	_ =	shalt  }
0x5e: {  	_ =	shalt  }
0x5f: {  	_ =	shalt  }
0x60: {  	_ =	shalt  }
0x61: {  	_ =	shalt  }
0x62: {  	_ =	shalt  }
0x63: {  	_ =	shalt  }
0x64: {  	_ =	shalt  }
0x65: {  	_ =	shalt  }
0x66: {  	_ =	shalt  }
0x67: {  	_ =	shalt  }
0x68: {  	_ =	shalt  }
0x69: {  	_ =	shalt  }
0x6a: {  	_ =	shalt  }
0x6b: {  	_ =	shalt  }
0x6c: {  	_ =	shalt  }
0x6d: {  	_ =	shalt  }
0x6e: {  	_ =	shalt  }
0x6f: {  	_ =	shalt  }
0x70: {  	_ =	shalt  }
0x71: {  	_ =	shalt  }
0x72: {  	_ =	shalt  }
0x73: {  	_ =	shalt  }
0x74: {  	_ =	shalt  }
0x75: {  	_ =	shalt  }
0x76: {  	_ =	shalt  }
0x77: {  	_ =	shalt  }
0x78: {  	_ =	shalt  }
0x79: {  	_ =	shalt  }
0x7a: {  	_ =	shalt  }
0x7b: {  	_ =	shalt  }
0x7c: {  	_ =	shalt  }
0x7d: {  	_ =	shalt  }
0x7e: {  	_ =	shalt  }
0x7f: {  	_ =	shalt  }
0x80: {  	_ =	shalt  }
0x81: {  	_ =	shalt  }
0x82: {  	_ =	shalt  }
0x83: {  	_ =	shalt  }
0x84: {  	_ =	shalt  }
0x85: {  	_ =	shalt  }
0x86: {  	_ =	shalt  }
0x87: {  	_ =	shalt  }
.Lfunc_end0:
.L_simem_size_0:
called_computation.2_lowered:
.L_overlay_start_0:
0x88: {  	s2 =	sld [smem:$0x3FD9]  }
0x89: {  	s3 =	sld [smem:$0x3FFE];
	_ =	sdelay $0x1  }
0x8a: {  	s1 =	srdreg.scid  }
0x8b: {  	s0 =	sand.u32 $0x1, s1  }
0x8c: {  	s17 =	sshll.u32 s0, $0xA;
	s2 =	sadd.s32 s3, s2  }
0x8d: {  	s2 =	sadd.s32 s2, s17  }
0x8e: {  	[smem:$0x3FC1] =	sst s2  }
0x8f: {  	_ = 	snop  }
0x90: {  	s2 =	sld [smem:$0x3FD0];
	(tm) =	ssettm $0x1  }
0x91: {  	s18 =	sld [smem:$0x3FFB];
	_ =	sdelay $0x3  }
0x92: {  	_ =	strace s18  }
0x93: {  	s3 =	sld [smem:$0x3FFC];
	_ =	sdelay $0x3  }
0x94: {  	_ =	strace s3  }
0x95: {  	s3 =	sld [smem:$0x3FFD];
	_ =	sdelay $0x3  }
0x96: {  	_ =	strace s3  }
0x97: {  	_ =	strace $0x8FFFFFFF  }
0x98: {  	s19 =	sld [smem:$0x3FDB];
	_ =	sdelay $0x1  }
0x99: {  	s4 =	simm.s32 $_scs_section_size  }
0x9a: {  	s5 =	simm.s32 $_size__tile_overlayer_lowered;
	s6 =	simm.s32 $_tile_overlayer_lowered  }
0x9b: {  	s22 =	simm.s32 $0x1BFF;
	s21 =	sshll.u32 s6, $0x1;
	s3 =	sadd.s32 s4, s19  }
0x9c: {  	s7 =	simm.s32 $0x0;
	s20 =	sshll.u32 s5, $0x1;
	s5 =	sadd.s32 s21, s3  }
0x9d: {  	[timem:s7], [sflag:s22] =	dma.local [hbm:s5], s20  }
0x9e: {  	_ =	swait.ge [sflag:s22], s20  }
0x9f: {  	s4 =	ssub.s32 $0x0, s20;
	[sflag:s22] =	ssyncset.done $0x0  }
0xa0: {  	[sflag:s22] =	ssyncadd.s32 s4;
	_ =	sdelay $0x1  }
0xa1: {  	s23 =	simm.s32 $0x1B8B  }
0xa2: {  	_ =	swait.ge [sflag:s23], $0x1  }
0xa3: {  	[sflag:s23] =	ssyncset.done $0x0  }
0xa4: {  	s25 =	simm.s32 $0x1B8E;
	s24 =	sld [smem:$0x3FFE];
	[sflag:s23] =	ssyncadd.s32 $0xFFFFFFFF  }
0xa5: {  	s26 =	simm.s32 $execute0_lowered;
	[smem:$0x3FD2] =	sst s25  }
0xa6: {  	s5 =	sshll.u32 s26, $0x1;
	_ =	strace $0x8000004C;
	[dreg:$0x1] =	wrdreg $0xFFFFFFFF  }
0xa7: {  	s28 =	simm.s32 $_size_execute0_lowered;
	s3 =	sadd.s32 s3, s5;
	[dreg:$0x0] =	wrdreg $0x0  }
0xa8: {  	s5 =	sshll.u32 s28, $0x1;
	[dreg:$0x2] =	wrdreg s3  }
0xa9: {  	[dreg:$0x3] =	wrdreg s5  }
0xaa: {  	[dreg:$0x4] =	wrdreg $0xC0  }
0xab: {  	_ =	task [dreg:s7], $0x5FFFF  }
0xac: {  	[dreg:$0x1] =	wrdreg $0xFFFFFFFF  }
0xad: {  	[dreg:$0x0] =	wrdreg $0x60  }
0xae: {  	[dreg:$0x2] =	wrdreg s2  }
0xaf: {  	[dreg:$0x3] =	wrdreg s24  }
0xb0: {  	[dreg:$0x4] =	wrdreg $0x0  }
0xb1: {  	[dreg:$0x5] =	wrdreg $0x9  }
0xb2: {  	_ =	task.clear_ibuf [dreg:s7], $0x6FFFF;
	_ =	strace $0x9000004C  }
0xb3: {  	s29 =	simm.s32 $0x9;
	_ =	strace $0x8000004E  }
0xb4: {  	_ =	swait.ge [sflag:s29], $0x1  }
0xb5: {  	[sflag:s29] =	ssyncadd.s32 $0xFFFFFFFF  }
0xb6: {  	_ =	strace $0x9000004E  }
0xb7: {  	_ =	sfence  }
0xb8: {  	s30 =	sld [smem:$0x0];
	_ =	sdelay $0x2  }
0xb9: {  	s31 =	sshll.u32 s1, $0xD;
	s1 =	sshrl.u32 s1, $0x2  }
0xba: {  	s3 =	sand.u32 $0x4000, s31;
	s1 =	sadd.s32 s1, s30  }
0xbb: {  	s0 =	sor.u32 s3, s0;
	s1 =	sshll.u32 s1, $0x11  }
0xbc: {  	s0 =	sor.u32 s1, s0  }
0xbd: {  	s0 =	sadd.s32 $0x8F2B, s0  }
0xbe: {  	[sflag:s0] =	ssyncadd.remote.s32 $0x1  }
0xbf: {  	_ =	sfence.sel $0xFFFF  }
0xc0: {  	[dreg:$0x0] =	wrdreg $0xFFFFFFFF;
	(pc) =	sbr.abs _section_cstart, $3  }
0xc1: {  	[dreg:$0x1] =	wrdreg $0xFFFFFFFF  }
0xc2: {  	_ =	task.clear_ibuf [dreg:s7], $0x2FFFF;
	_ =	strace $0x9FFFFFFF  }
0xc3: {  	(tm) =	ssettm $0x7FFFFFFF  }
tec
execute0_lowered:
.L_overlay_start_1:
0x0: {  	(tag) =	ssettag $0x1  }
0x1: {  	s1 =	rddreg [dreg:$0x0]  }
0x2: {  	s6 =	rddreg [dreg:$0x1]  }
0x3: {  	s0 =	srdreg.scid;
	s3 =	rddreg [dreg:$0x2];
	s4 =	simm.s32 $0x0  }
0x4: {  	s16 =	simm.s32 $0x15400;
	s17 =	simm.s32 $0x80;
	s18 =	simm.s32 $0x16800  }
0x5: {  	s19 =	simm.s32 $0x1;
	s20 =	simm.s32 $0x14080;
	s5 =	sand.u32 $0x1, s0  }
0x6: {  	s21 =	simm.s32 $0x1A800;
	s0 =	stileid.u32;
	s8 =	smul.u32 $0x138800, s5  }
0x7: {  	s22 =	simm.s32 $0x2;
	s28 =	simm.s32 $0x0;
	s9 =	smul.u32 $0x1F400, s0  }
0x8: {  	[smem:$0x7FF] =	sst s4;
	s2 =	sshll.u32 s5, $0x4;
	s10 =	smul.u32 $0x2800, s0  }
0x9: {  	s24 =	smul.u32 $0x50000, s0;
	s5 =	ssub.s32 $0x2, s5;
	s30 =	sshll.u32 s0, $0x6  }
0xa: {  	s15 =	smul.u32 $0x7D000, s0;
	p0 =	sgt.u32 s0, $0x9;
	s2 =	sor.u32 s0, s2  }
0xb: {  	s26 =	sshrl.u32 s5, $0x1;
	s7 =	smul.u32 $0x2800, s2;
	s2 =	rddreg [dreg:$0x3]  }
0xc: {  	_ =	strace $0x8000004D;
	s23 =	sadd.s32 s9, s8;
	s25 =	sadd.s32 s10, s6  }
0xd: {  	s29 =	sshrl.u32 s24, $0x2;
	s13 =	ssub.s32 s5, s26;
	s31 =	sshrl.u32 s15, $0x2  }
0xe: {  	s15 =	simm.s32 $0x14000;
	s24 =	simm.s32 $0x14100;
	s26 =	simm.s32 $0x16700  }
0xf: {  	s14 =	sadd.s32 s29, s3;
	s5 =	sadd.s32 $0x1800, s25;
	s7 =	sshrl.u32 s7, $0x3  }
0x10: {  	s25 =	sadd.s32 s31, s3;
	s11 =	sadd.s32 s7, s6;
	s7 =	sshrl.u32 s23, $0x3  }
0x11: {  	s25 =	sshrl.u32 @!p0 s25, $0x3;
	s23 =	simm.s32 $0x15480;
	s12 =	sadd.s32 s7, s6  }
0x12: {  	s6 =	sor.u32 $0x1C03, s30;
	s7 =	sadd.s32 $0x8BA00, s11;
	s8 =	sadd.s32 $0x95A00, s11  }
0x13: {  	s9 =	sadd.s32 $0x8BC80, s11;
	s10 =	sadd.s32 $0x95C80, s11;
	s11 =	sadd.s32 $0x29800, s12  }
0x14: {  	s12 =	smax.u32 s13, $0x1;
	s13 =	sshrl.u32 s14, $0x3;
	s14 =	simm.s32 $0x3  }
.LBB2_1:
0x15: {  	[spmem:s13], [sflag:s6] =	dma.local [hbm:s5], $0x2800  }
0x16: {  	_ =	swait.ge [sflag:s14], $0x2800  }
0x17: {  	[sflag:s14] =	ssyncset.done $0x0  }
0x18: {  	[sflag:s14] =	ssyncadd.s32 $0xFFFFD800  }
0x19: {  	[tilespmem:s15], [sflag:$0x3] =	stream.linear.gather [hbm4b:s7+s4], $0x1400, $0x38;
	[tilespmem:$0x1E800] =	vst v63  }
0x1a: {  	_ =	swait.ge [sflag:s14], $0x1400  }
0x1b: {  	[sflag:s14] =	ssyncset.done $0x0  }
0x1c: {  	[sflag:s14] =	ssyncadd.s32 $0xFFFFEC00  }
0x1d: {  	[tilespmem:s16], [sflag:$0x3] =	stream.linear.gather [hbm4b:s8+s4], $0x1400, $0x38;
	[tilespmem:$0x1E800] =	vst v63  }
0x1e: {  	_ =	swait.ge [sflag:s14], $0x1400  }
0x1f: {  	[sflag:s14] =	ssyncset.done $0x0  }
0x20: {  	[sflag:s14] =	ssyncadd.s32 $0xFFFFEC00  }
0x21: {  	[bflag:$0x0] =	sbarrier.arrive $0xFFFF  }
0x22: {  	[tilespmem:s18], [sflag:$0x1] =	stream.indirect.gather [hbm4b:s1+s17], $0x80, s15, s17, $0xb8;
	[tilespmem:$0x1E800] =	vst v63  }
0x23: {  	_ =	swait.ge [sflag:s19], $0x4000  }
0x24: {  	[sflag:s19] =	ssyncset.done $0x0  }
0x25: {  	[sflag:s19] =	ssyncadd.s32 $0xFFFFC000  }
0x26: {  	[spmem:s3] =	stream.indirect.scatter.add.f32 [tilespmem:s18], [sflag:$0x2], $0x80, s16, s17, $0xb8;
	[tilespmem:$0x1E800] =	vst v63  }
0x27: {  	_ = 	snop  }
0x28: {  	[tilespmem:s21], [sflag:$0x1] =	stream.indirect.gather [hbm4b:s1+s17], $0x80, s20, s17, $0xb8;
	[tilespmem:$0x1E800] =	vst v63  }
0x29: {  	_ =	swait.ge [sflag:s19], $0x4000  }
0x2a: {  	[sflag:s19] =	ssyncset.done $0x0  }
0x2b: {  	[sflag:s19] =	ssyncadd.s32 $0xFFFFC000  }
0x2c: {  	_ =	swait.ge [sflag:s22], $0x4000  }
0x2d: {  	[sflag:s22] =	ssyncset.done $0x0  }
0x2e: {  	[sflag:s22] =	ssyncadd.s32 $0xFFFFC000  }
0x2f: {  	[spmem:s3] =	stream.indirect.scatter.add.f32 [tilespmem:s21], [sflag:$0x2], $0x80, s23, s17, $0xb8;
	[tilespmem:$0x1E800] =	vst v63  }
0x30: {  	s29 =	simm.s32 $0x800  }
0x31: {  	[tilespmem:s18], [sflag:$0x1] =	stream.indirect.gather [hbm4b:s1+s17], $0x80, s24, s17, $0xb8;
	[tilespmem:$0x1E800] =	vst v63  }
.LBB2_2:
0x32: {  	_ =	swait.ge [sflag:s19], $0x4000  }
0x33: {  	[sflag:s19] =	ssyncset.done $0x0  }
0x34: {  	[sflag:s19] =	ssyncadd.s32 $0xFFFFC000  }
0x35: {  	_ =	swait.ge [sflag:s22], $0x4000  }
0x36: {  	s30 =	sshra.s32 s29, $0x2;
	[sflag:s22] =	ssyncset.done $0x0  }
0x37: {  	s31 =	sadd.s32 $0x15300, s30;
	[sflag:s22] =	ssyncadd.s32 $0xFFFFC000  }
0x38: {  	[spmem:s3] =	stream.indirect.scatter.add.f32 [tilespmem:s18], [sflag:$0x2], $0x80, s31, s17, $0xb8;
	[tilespmem:$0x1E800] =	vst v63  }
0x39: {  	s31 =	sadd.s32 $0x13F80, s30  }
0x3a: {  	[tilespmem:s21], [sflag:$0x1] =	stream.indirect.gather [hbm4b:s1+s17], $0x80, s31, s17, $0xb8;
	[tilespmem:$0x1E800] =	vst v63  }
0x3b: {  	_ =	swait.ge [sflag:s19], $0x4000  }
0x3c: {  	p1 =	seq.s32 s29, $0x5000;
	[sflag:s19] =	ssyncset.done $0x0  }
.Ltmp0:
0x3d: {  	[sflag:s19] =	ssyncadd.s32 $0xFFFFC000;
	(pc) =	sbr.rel @p1 .LBB2_4-.Ltmp0, $4  }
0x3e: {  	_ =	swait.ge [sflag:s22], $0x4000  }
0x3f: {  	[sflag:s22] =	ssyncset.done $0x0  }
0x40: {  	s31 =	sadd.s32 $0x15380, s30;
	[sflag:s22] =	ssyncadd.s32 $0xFFFFC000  }
0x41: {  	[spmem:s3] =	stream.indirect.scatter.add.f32 [tilespmem:s21], [sflag:$0x2], $0x80, s31, s17, $0xb8;
	[tilespmem:$0x1E800] =	vst v63  }
.Ltmp1:
0x42: {  	(pc) =	sbr.rel .LBB2_2-.Ltmp1, $3  }
0x43: {  	_ =	sdelay $0x1  }
0x44: {  	s30 =	sadd.s32 $0x14000, s30;
	s29 =	sadd.s32 $0x400, s29  }
0x45: {  	[tilespmem:s18], [sflag:$0x1] =	stream.indirect.gather [hbm4b:s1+s17], $0x80, s30, s17, $0xb8;
	[tilespmem:$0x1E800] =	vst v63  }
.LBB2_4:
0x46: {  	_ =	swait.ge [sflag:s22], $0x4000  }
0x47: {  	[sflag:s22] =	ssyncset.done $0x0  }
0x48: {  	[sflag:s22] =	ssyncadd.s32 $0xFFFFC000  }
0x49: {  	[tilespmem:s15], [sflag:$0x3] =	stream.linear.gather [hbm4b:s9+s4], $0x1380, $0x38;
	[tilespmem:$0x1E800] =	vst v63  }
0x4a: {  	_ =	swait.ge [sflag:s14], $0x1380  }
0x4b: {  	[sflag:s14] =	ssyncset.done $0x0  }
0x4c: {  	[sflag:s14] =	ssyncadd.s32 $0xFFFFEC80  }
0x4d: {  	[tilespmem:s16], [sflag:$0x3] =	stream.linear.gather [hbm4b:s10+s4], $0x1380, $0x38;
	[tilespmem:$0x1E800] =	vst v63  }
0x4e: {  	_ =	swait.ge [sflag:s14], $0x1380  }
0x4f: {  	[sflag:s14] =	ssyncset.done $0x0  }
0x50: {  	[sflag:s14] =	ssyncadd.s32 $0xFFFFEC80  }
0x51: {  	[tilespmem:s18], [sflag:$0x1] =	stream.indirect.gather [hbm4b:s1+s17], $0x80, s15, s17, $0xb8;
	[tilespmem:$0x1E800] =	vst v63  }
0x52: {  	_ =	swait.ge [sflag:s19], $0x4000  }
0x53: {  	[sflag:s19] =	ssyncset.done $0x0  }
0x54: {  	[sflag:s19] =	ssyncadd.s32 $0xFFFFC000  }
0x55: {  	[spmem:s3] =	stream.indirect.scatter.add.f32 [tilespmem:s18], [sflag:$0x2], $0x80, s16, s17, $0xb8;
	[tilespmem:$0x1E800] =	vst v63  }
0x56: {  	_ = 	snop  }
0x57: {  	[tilespmem:s21], [sflag:$0x1] =	stream.indirect.gather [hbm4b:s1+s17], $0x80, s20, s17, $0xb8;
	[tilespmem:$0x1E800] =	vst v63  }
0x58: {  	_ =	swait.ge [sflag:s19], $0x4000  }
0x59: {  	[sflag:s19] =	ssyncset.done $0x0  }
0x5a: {  	[sflag:s19] =	ssyncadd.s32 $0xFFFFC000  }
0x5b: {  	_ =	swait.ge [sflag:s22], $0x4000  }
0x5c: {  	[sflag:s22] =	ssyncset.done $0x0  }
0x5d: {  	[sflag:s22] =	ssyncadd.s32 $0xFFFFC000  }
0x5e: {  	[spmem:s3] =	stream.indirect.scatter.add.f32 [tilespmem:s21], [sflag:$0x2], $0x80, s23, s17, $0xb8;
	[tilespmem:$0x1E800] =	vst v63  }
0x5f: {  	_ = 	snop  }
0x60: {  	[tilespmem:s18], [sflag:$0x1] =	stream.indirect.gather [hbm4b:s1+s17], $0x80, s24, s17, $0xb8;
	[tilespmem:$0x1E800] =	vst v63  }
0x61: {  	_ =	swait.ge [sflag:s19], $0x4000  }
0x62: {  	[sflag:s19] =	ssyncset.done $0x0  }
0x63: {  	[sflag:s19] =	ssyncadd.s32 $0xFFFFC000  }
0x64: {  	_ =	swait.ge [sflag:s22], $0x4000  }
0x65: {  	[sflag:s22] =	ssyncset.done $0x0  }
0x66: {  	s29 =	simm.s32 $0x15500;
	[sflag:s22] =	ssyncadd.s32 $0xFFFFC000  }
0x67: {  	[spmem:s3] =	stream.indirect.scatter.add.f32 [tilespmem:s18], [sflag:$0x2], $0x80, s29, s17, $0xb8;
	[tilespmem:$0x1E800] =	vst v63  }
0x68: {  	s29 =	simm.s32 $0x14180  }
0x69: {  	[tilespmem:s21], [sflag:$0x1] =	stream.indirect.gather [hbm4b:s1+s17], $0x80, s29, s17, $0xb8;
	[tilespmem:$0x1E800] =	vst v63  }
0x6a: {  	_ =	swait.ge [sflag:s19], $0x4000  }
0x6b: {  	[sflag:s19] =	ssyncset.done $0x0  }
0x6c: {  	[sflag:s19] =	ssyncadd.s32 $0xFFFFC000  }
0x6d: {  	_ =	swait.ge [sflag:s22], $0x4000  }
0x6e: {  	[sflag:s22] =	ssyncset.done $0x0  }
0x6f: {  	s29 =	simm.s32 $0x15580;
	[sflag:s22] =	ssyncadd.s32 $0xFFFFC000  }
0x70: {  	[spmem:s3] =	stream.indirect.scatter.add.f32 [tilespmem:s21], [sflag:$0x2], $0x80, s29, s17, $0xb8;
	[tilespmem:$0x1E800] =	vst v63  }
0x71: {  	s30 =	simm.s32 $0x14200;
	s29 =	simm.s32 $0xC00  }
.LBB2_5:
0x72: {  	[tilespmem:s18], [sflag:$0x1] =	stream.indirect.gather [hbm4b:s1+s17], $0x80, s30, s17, $0xb8;
	[tilespmem:$0x1E800] =	vst v63  }
0x73: {  	s30 =	smov.u32 s29  }
0x74: {  	p1 =	sne.s32 s29, $0x4C00;
	s29 =	sadd.s32 $0x400, s29;
	_ =	swait.ge [sflag:s19], $0x4000  }
0x75: {  	[sflag:s19] =	ssyncset.done $0x0  }
0x76: {  	[sflag:s19] =	ssyncadd.s32 $0xFFFFC000  }
0x77: {  	_ =	swait.ge [sflag:s22], $0x4000  }
0x78: {  	s30 =	sshra.s32 s30, $0x2;
	[sflag:s22] =	ssyncset.done $0x0  }
0x79: {  	s31 =	sadd.s32 $0x15300, s30;
	[sflag:s22] =	ssyncadd.s32 $0xFFFFC000  }
0x7a: {  	[spmem:s3] =	stream.indirect.scatter.add.f32 [tilespmem:s18], [sflag:$0x2], $0x80, s31, s17, $0xb8;
	[tilespmem:$0x1E800] =	vst v63  }
0x7b: {  	s31 =	sadd.s32 $0x13F80, s30  }
0x7c: {  	[tilespmem:s21], [sflag:$0x1] =	stream.indirect.gather [hbm4b:s1+s17], $0x80, s31, s17, $0xb8;
	[tilespmem:$0x1E800] =	vst v63  }
0x7d: {  	_ =	swait.ge [sflag:s19], $0x4000  }
0x7e: {  	[sflag:s19] =	ssyncset.done $0x0  }
0x7f: {  	[sflag:s19] =	ssyncadd.s32 $0xFFFFC000  }
.Ltmp2:
0x80: {  	_ =	swait.ge [sflag:s22], $0x4000;
	(pc) =	sbr.rel @p1 .LBB2_5-.Ltmp2, $4  }
0x81: {  	[sflag:s22] =	ssyncset.done $0x0  }
0x82: {  	s31 =	sadd.s32 $0x15380, s30;
	[sflag:s22] =	ssyncadd.s32 $0xFFFFC000  }
0x83: {  	[spmem:s3] =	stream.indirect.scatter.add.f32 [tilespmem:s21], [sflag:$0x2], $0x80, s31, s17, $0xb8;
	[tilespmem:$0x1E800] =	vst v63  }
0x84: {  	s30 =	sadd.s32 $0x14000, s30  }
0x85: {  	[tilespmem:s18], [sflag:$0x1] =	stream.indirect.gather [hbm4b:s1+s17], $0x80, s30, s17, $0xb8;
	[tilespmem:$0x1E800] =	vst v63  }
0x86: {  	_ =	swait.ge [sflag:s19], $0x4000  }
0x87: {  	[sflag:s19] =	ssyncset.done $0x0  }
0x88: {  	[sflag:s19] =	ssyncadd.s32 $0xFFFFC000  }
0x89: {  	_ =	swait.ge [sflag:s22], $0x4000  }
0x8a: {  	[sflag:s22] =	ssyncset.done $0x0  }
0x8b: {  	[sflag:s22] =	ssyncadd.s32 $0xFFFFC000  }
0x8c: {  	[spmem:s3] =	stream.indirect.scatter.add.f32 [tilespmem:s18], [sflag:$0x2], $0x80, s26, s17, $0xb8;
	[tilespmem:$0x1E800] =	vst v63  }
0x8d: {  	_ =	swait.ge [sflag:s22], $0x4000  }
0x8e: {  	s28 =	sadd.s32 $0x1, s28;
	[sflag:s22] =	ssyncset.done $0x0  }
0x8f: {  	p1 =	sne.s32 s28, s12;
	[sflag:s22] =	ssyncadd.s32 $0xFFFFC000  }
.Ltmp3:
0x90: {  	s29 =	simm.s32 @!p0 $0x3;
	[bflag:$0x0] =	sbarrier.arrive $0xFFFF;
	(pc) =	sbr.rel @p1 .LBB2_1-.Ltmp3, $4  }
0x91: {  	[hbm:s11], [sflag:s6] =	dma.local @!p0 [spmem:s25], $0x3E80  }
0x92: {  	_ =	swait.ge @!p0 [sflag:s29], $0x3E80  }
0x93: {  	[sflag:s29] =	ssyncset.done @!p0 $0x0  }
0x94: {  	[sflag:s29] =	ssyncadd.s32 @!p0 $0xFFFFC180  }
0x95: {  	_ =	sfence.sel $0x180000  }
0x96: {  	[bflag:$0x0] =	sbarrier.arrive $0xFFFF  }
0x97: {  	p0 =	sne.s32 s0, $0x0;
	_ =	strace $0x9000004D  }
0x98: {  	s0 =	sadd.s32 @!p0 $0x100000, s2;
	[bflag:$0x2] =	sbarrier.arrive $0xFFFF  }
0x99: {  	[sflag:s0] =	ssyncadd.tile.s32 @!p0 $0x1;
	_ =	shalt  }
.Lfunc_end2:
_tile_overlayer_lowered:
.L_overlay_start_2:
0x9a: {  	(tag) =	ssettag $0x2  }
0x9b: {  	s0 =	rddreg [dreg:$0x0];
	s2 =	stileid.u32  }
0x9c: {  	s1 =	rddreg [dreg:$0x1];
	p0 =	sne.s32 s2, $0x0  }
0x9d: {  	s3 =	rddreg [dreg:$0x2];
	[bflag:$0x3] =	sbarrier.arrive $0xFFFF;
	s2 =	simm.s32 @!p0 $0x1C03  }
0x9e: {  	[timem:s3], [sflag:s2] =	dma.local @!p0 [hbm:s0], s1  }
0x9f: {  	s0 =	simm.s32 @!p0 $0x3  }
0xa0: {  	_ =	swait.ge @!p0 [sflag:s0], s1  }
0xa1: {  	s1 =	ssub.s32 @!p0 $0x0, s1;
	[sflag:s0] =	ssyncset.done @!p0 $0x0  }
0xa2: {  	[sflag:s0] =	ssyncadd.s32 @!p0 s1  }
0xa3: {  	[bflag:$0x3] =	sbarrier.arrive $0xFFFF  }
0xa4: {  	_ =	shalt  }

// kernel: kernel.8.cloned.1.call-start
scs
__scs_entry_jumppad:
0x0: {  	(pc) =	sbr.rel $0x88, $3  }
0x1: {  	(tag) =	ssettag $0x0;
	lr =	simm.s32 $0x1  }
0x2: {  	[smem:$0x3F9A] =	sst lr;
	_ =	strace $0xD0000000  }
0x3: {  	_ = 	snop  }
0x4: {  	_ = 	snop  }
0x5: {  	_ = 	snop  }
0x6: {  	_ = 	snop  }
0x7: {  	_ = 	snop  }
__scs_overlays_trampoline_lowered:
0x8: {  	[smem:$0x3FA9] =	sst s0  }
0x9: {  	[smem:$0x3FAA] =	sst s1  }
0xa: {  	[smem:$0x3FAB] =	sst s2  }
0xb: {  	[smem:$0x3FAC] =	sst s3  }
0xc: {  	[smem:$0x3FAD] =	sst s4  }
0xd: {  	[smem:$0x3FAE] =	sst s5  }
0xe: {  	[smem:$0x3FAF] =	sst s6  }
0xf: {  	[smem:$0x3FB0] =	sst s7  }
0x10: {  	[smem:$0x3FB1] =	sst s8  }
0x11: {  	[smem:$0x3FB2] =	sst s9;
	s0 =	simm.s32 @!p0 $0x0  }
0x12: {  	s1 =	sld [smem:$0x3F98];
	s0 =	simm.s32 @p0 $0x1  }
0x13: {  	[smem:$0x3FB3] =	sst s0;
	s0 =	simm.s32 @!p1 $0x0  }
0x14: {  	s2 =	sld [smem:$0x3F97];
	s0 =	simm.s32 @p1 $0x1  }
0x15: {  	[smem:$0x3FB4] =	sst s0;
	s0 =	simm.s32 @!p2 $0x0  }
0x16: {  	s3 =	sld [smem:$0x3FDB];
	s0 =	simm.s32 @p2 $0x1  }
0x17: {  	s4 =	simm.s32 $0x1BF5;
	[smem:$0x3FB6] =	sst s0  }
0x18: {  	s0 =	sld [smem:$0x3F99];
	_ =	swait.ge [sflag:s4], $0x0  }
0x19: {  	s7 =	sld [smem:$0x3F9A]  }
0x1a: {  	s8 =	sadd.s32 $0xFFFFE003, lr  }
0x1b: {  	s9 =	sadd.s32 $0xFFFFFEF7, lr;
	s5 =	simm.s32 $0xFFFFFFFF;
	p2 =	slt.u32 s8, $0xFFFFF086  }
0x1c: {  	p1 =	slt.u32 s9, $0xF7A;
	s5 =	simm.s32 @!p2 $0x0  }
0x1d: {  	s5 =	simm.s32 @p1 $0x1;
	p0 =	seq.s32 s7, s2  }
0x1e: {  	s7 =	smul.u32 @!p0 $0xF7A, s2;
	p2 =	seq.s32 @!p0 s5, $0x0  }
0x1f: {  	s9 =	smul.u32 $0xF7A, s1;
	s8 =	simm.s32 @!p0 $0x1BF5;
	p2 =	por !p2, p0  }
0x20: {  	[sflag:s8] =	ssyncset.s32 @!p0 $0xFFFFF086;
	s6 =	sadd.s32 @!p0 s3, s7;
	s7 =	simm.s32 @!p0 $0x108  }
0x21: {  	s3 =	sadd.s32 s3, s9;
	s6 =	sadd.s32 @!p0 $0x88, s6;
	s7 =	simm.s32 @p2 $0x1082  }
0x22: {  	[simem:s7], [sflag:s8] =	dma.local @!p0 [hbm:s6], $0xF7A  }
0x23: {  	s9 =	sor.u32 $0xD0000000, s2;
	s6 =	simm.s32 $0x108;
	_ =	swait.ge @!p0 [sflag:s8], $0x0  }
0x24: {  	s3 =	sadd.s32 $0x88, s3;
	s6 =	simm.s32 @!p1 $0x1082;
	[sflag:s4] =	ssyncset.s32 $0xFFFFF086  }
0x25: {  	[simem:s6], [sflag:s4] =	dma.local [hbm:s3], $0xF7A  }
0x26: {  	[smem:$0x3F9A] =	sst s1;
	(tag) =	ssettag s2;
	_ =	strace s9  }
0x27: {  	s1 =	sld [smem:$0x3FAA]  }
0x28: {  	s2 =	sld [smem:$0x3FAB]  }
0x29: {  	s4 =	sld [smem:$0x3FAD]  }
0x2a: {  	p0 =	seq.s32 s5, $0x0;
	s5 =	sld [smem:$0x3FAE]  }
0x2b: {  	s6 =	sld [smem:$0x3FAF]  }
0x2c: {  	s7 =	sld [smem:$0x3FB0]  }
0x2d: {  	s3 =	simm.s32 $0x108;
	s8 =	sld [smem:$0x3FB1]  }
0x2e: {  	s3 =	simm.s32 @!p0 $0x1082;
	s9 =	sld [smem:$0x3FB2]  }
0x2f: {  	lr =	sadd.s32 s0, s3;
	s0 =	sld [smem:$0x3FA9]  }
0x30: {  	s3 =	sld [smem:$0x3FAC]  }
0x31: {  	[smem:$0x3FB5] =	sst s10  }
0x32: {  	s10 =	sld [smem:$0x3FB3];
	_ =	sdelay $0x3  }
0x33: {  	p0 =	seq.s32 s10, $0x1;
	s10 =	sld [smem:$0x3FB5];
	_ =	sdelay $0x3  }
0x34: {  	[smem:$0x3FB5] =	sst s10  }
0x35: {  	s10 =	sld [smem:$0x3FB4];
	_ =	sdelay $0x3  }
0x36: {  	p1 =	seq.s32 s10, $0x1;
	s10 =	sld [smem:$0x3FB5];
	_ =	sdelay $0x3  }
0x37: {  	[smem:$0x3FB5] =	sst s10  }
0x38: {  	s10 =	sld [smem:$0x3FB6]  }
0x39: {  	_ = 	snop;
	(pc) =	sbr.ind lr, $3  }
0x3a: {  	_ = 	snop  }
0x3b: {  	_ = 	snop  }
0x3c: {  	p2 =	seq.s32 s10, $0x1;
	s10 =	sld [smem:$0x3FB5]  }
0x3d: {  	_ =	shalt  }
0x3e: {  	_ =	shalt  }
0x3f: {  	_ =	shalt  }
0x40: {  	_ =	shalt  }
0x41: {  	_ =	shalt  }
0x42: {  	_ =	shalt  }
0x43: {  	_ =	shalt  }
0x44: {  	_ =	shalt  }
0x45: {  	_ =	shalt  }
0x46: {  	_ =	shalt  }
0x47: {  	_ =	shalt  }
0x48: {  	_ =	shalt  }
0x49: {  	_ =	shalt  }
0x4a: {  	_ =	shalt  }
0x4b: {  	_ =	shalt  }
0x4c: {  	_ =	shalt  }
0x4d: {  	_ =	shalt  }
0x4e: {  	_ =	shalt  }
0x4f: {  	_ =	shalt  }
0x50: {  	_ =	shalt  }
0x51: {  	_ =	shalt  }
0x52: {  	_ =	shalt  }
0x53: {  	_ =	shalt  }
0x54: {  	_ =	shalt  }
0x55: {  	_ =	shalt  }
0x56: {  	_ =	shalt  }
0x57: {  	_ =	shalt  }
0x58: {  	_ =	shalt  }
0x59: {  	_ =	shalt  }
0x5a: {  	_ =	shalt  }
0x5b: {  	_ =	shalt  }
0x5c: {  	_ =	shalt  }
0x5d: {  	_ =	shalt  }
0x5e: {  	_ =	shalt  }
0x5f: {  	_ =	shalt  }
0x60: {  	_ =	shalt  }
0x61: {  	_ =	shalt  }
0x62: {  	_ =	shalt  }
0x63: {  	_ =	shalt  }
0x64: {  	_ =	shalt  }
0x65: {  	_ =	shalt  }
0x66: {  	_ =	shalt  }
0x67: {  	_ =	shalt  }
0x68: {  	_ =	shalt  }
0x69: {  	_ =	shalt  }
0x6a: {  	_ =	shalt  }
0x6b: {  	_ =	shalt  }
0x6c: {  	_ =	shalt  }
0x6d: {  	_ =	shalt  }
0x6e: {  	_ =	shalt  }
0x6f: {  	_ =	shalt  }
0x70: {  	_ =	shalt  }
0x71: {  	_ =	shalt  }
0x72: {  	_ =	shalt  }
0x73: {  	_ =	shalt  }
0x74: {  	_ =	shalt  }
0x75: {  	_ =	shalt  }
0x76: {  	_ =	shalt  }
0x77: {  	_ =	shalt  }
0x78: {  	_ =	shalt  }
0x79: {  	_ =	shalt  }
0x7a: {  	_ =	shalt  }
0x7b: {  	_ =	shalt  }
0x7c: {  	_ =	shalt  }
0x7d: {  	_ =	shalt  }
0x7e: {  	_ =	shalt  }
0x7f: {  	_ =	shalt  }
0x80: {  	_ =	shalt  }
0x81: {  	_ =	shalt  }
0x82: {  	_ =	shalt  }
0x83: {  	_ =	shalt  }
0x84: {  	_ =	shalt  }
0x85: {  	_ =	shalt  }
0x86: {  	_ =	shalt  }
0x87: {  	_ =	shalt  }
.Lfunc_end0:
.L_simem_size_0:
called_computation_lowered:
.L_overlay_start_0:
0x88: {  	s2 =	sld [smem:$0x3FD9]  }
0x89: {  	s3 =	sld [smem:$0x3FFE];
	_ =	sdelay $0x1  }
0x8a: {  	s1 =	srdreg.scid  }
0x8b: {  	s0 =	sand.u32 $0x1, s1  }
0x8c: {  	s17 =	sshll.u32 s0, $0xA;
	s2 =	sadd.s32 s3, s2  }
0x8d: {  	s2 =	sadd.s32 s2, s17  }
0x8e: {  	[smem:$0x3FC1] =	sst s2  }
0x8f: {  	_ = 	snop  }
0x90: {  	s2 =	sld [smem:$0x3FD0];
	(tm) =	ssettm $0x1  }
0x91: {  	s18 =	sld [smem:$0x3FFB];
	_ =	sdelay $0x3  }
0x92: {  	_ =	strace s18  }
0x93: {  	s3 =	sld [smem:$0x3FFC];
	_ =	sdelay $0x3  }
0x94: {  	_ =	strace s3  }
0x95: {  	s3 =	sld [smem:$0x3FFD];
	_ =	sdelay $0x3  }
0x96: {  	_ =	strace s3  }
0x97: {  	_ =	strace $0x8FFFFFFF  }
0x98: {  	s19 =	sld [smem:$0x3FDB];
	_ =	sdelay $0x1  }
0x99: {  	s4 =	simm.s32 $_scs_section_size  }
0x9a: {  	s5 =	simm.s32 $_size__tile_overlayer_lowered;
	s6 =	simm.s32 $_tile_overlayer_lowered  }
0x9b: {  	s22 =	simm.s32 $0x1BFF;
	s21 =	sshll.u32 s6, $0x1;
	s3 =	sadd.s32 s4, s19  }
0x9c: {  	s7 =	simm.s32 $0x0;
	s20 =	sshll.u32 s5, $0x1;
	s5 =	sadd.s32 s21, s3  }
0x9d: {  	[timem:s7], [sflag:s22] =	dma.local [hbm:s5], s20  }
0x9e: {  	_ =	swait.ge [sflag:s22], s20  }
0x9f: {  	s4 =	ssub.s32 $0x0, s20;
	[sflag:s22] =	ssyncset.done $0x0  }
0xa0: {  	[sflag:s22] =	ssyncadd.s32 s4;
	_ =	sdelay $0x1  }
0xa1: {  	s23 =	simm.s32 $0x1B8B  }
0xa2: {  	_ =	swait.ge [sflag:s23], $0x1  }
0xa3: {  	[sflag:s23] =	ssyncset.done $0x0  }
0xa4: {  	s25 =	simm.s32 $0x1B8E;
	s24 =	sld [smem:$0x3FFE];
	[sflag:s23] =	ssyncadd.s32 $0xFFFFFFFF  }
0xa5: {  	s26 =	simm.s32 $execute0_lowered;
	[smem:$0x3FD2] =	sst s25  }
0xa6: {  	s5 =	sshll.u32 s26, $0x1;
	_ =	strace $0x80000046;
	[dreg:$0x1] =	wrdreg $0xFFFFFFFF  }
0xa7: {  	s28 =	simm.s32 $_size_execute0_lowered;
	s3 =	sadd.s32 s3, s5;
	[dreg:$0x0] =	wrdreg $0x0  }
0xa8: {  	s5 =	sshll.u32 s28, $0x1;
	[dreg:$0x2] =	wrdreg s3  }
0xa9: {  	[dreg:$0x3] =	wrdreg s5  }
0xaa: {  	[dreg:$0x4] =	wrdreg $0xC0  }
0xab: {  	_ =	task [dreg:s7], $0x5FFFF  }
0xac: {  	[dreg:$0x1] =	wrdreg $0xFFFFFFFF  }
0xad: {  	[dreg:$0x0] =	wrdreg $0x60  }
0xae: {  	[dreg:$0x2] =	wrdreg s24  }
0xaf: {  	[dreg:$0x3] =	wrdreg s2  }
0xb0: {  	[dreg:$0x4] =	wrdreg $0x9  }
0xb1: {  	_ =	task.clear_ibuf [dreg:s7], $0x5FFFF;
	_ =	strace $0x90000046  }
0xb2: {  	s29 =	simm.s32 $0x9;
	_ =	strace $0x80000048  }
0xb3: {  	_ =	swait.ge [sflag:s29], $0x1  }
0xb4: {  	[sflag:s29] =	ssyncadd.s32 $0xFFFFFFFF  }
0xb5: {  	_ =	strace $0x90000048  }
0xb6: {  	_ =	sfence  }
0xb7: {  	s30 =	sld [smem:$0x0];
	_ =	sdelay $0x2  }
0xb8: {  	s31 =	sshll.u32 s1, $0xD;
	s1 =	sshrl.u32 s1, $0x2  }
0xb9: {  	s3 =	sand.u32 $0x4000, s31;
	s1 =	sadd.s32 s1, s30  }
0xba: {  	s0 =	sor.u32 s3, s0;
	s1 =	sshll.u32 s1, $0x11  }
0xbb: {  	s0 =	sor.u32 s1, s0  }
0xbc: {  	s0 =	sadd.s32 $0x8F2B, s0  }
0xbd: {  	[sflag:s0] =	ssyncadd.remote.s32 $0x1  }
0xbe: {  	_ =	sfence.sel $0xFFFF  }
0xbf: {  	[dreg:$0x0] =	wrdreg $0xFFFFFFFF;
	(pc) =	sbr.abs _section_cstart, $3  }
0xc0: {  	[dreg:$0x1] =	wrdreg $0xFFFFFFFF  }
0xc1: {  	_ =	task.clear_ibuf [dreg:s7], $0x2FFFF;
	_ =	strace $0x9FFFFFFF  }
0xc2: {  	(tm) =	ssettm $0x7FFFFFFF  }
0xc3: {  	_ =	shalt  }
tec
execute0_lowered:
.L_overlay_start_1:
0x0: {  	(tag) =	ssettag $0x1  }
0x1: {  	s0 =	srdreg.scid;
	s3 =	rddreg [dreg:$0x0]  }
0x2: {  	s6 =	rddreg [dreg:$0x1];
	s4 =	sand.u32 $0x1, s0  }
0x3: {  	s0 =	stileid.u32;
	s5 =	smul.u32 $0xA0000, s4  }
0x4: {  	s1 =	rddreg [dreg:$0x2];
	s2 =	simm.s32 $0x0;
	s7 =	smul.u32 $0x5000, s0  }
0x5: {  	s10 =	simm.s32 $0x7800;
	s11 =	simm.s32 $0x0;
	s8 =	smul.u32 $0x50000, s4  }
0x6: {  	[smem:$0x7FF] =	sst s2;
	s9 =	smul.u32 $0x2800, s0;
	s4 =	ssub.s32 $0x2, s4  }
0x7: {  	_ =	strace $0x80000047;
	s31 =	sshrl.u32 s4, $0x1;
	s5 =	sadd.s32 s7, s5  }
0x8: {  	s8 =	sadd.s32 s9, s8;
	s7 =	ssub.s32 s4, s31;
	s5 =	sshrl.u32 s5, $0x3  }
0x9: {  	s9 =	simm.s32 $0x1;
	s8 =	sshrl.u32 s8, $0x3;
	s5 =	sadd.s32 s5, s3  }
0xa: {  	s3 =	sadd.s32 $0x1800, s5;
	s4 =	sadd.s32 $0xB800, s5;
	s5 =	sadd.s32 s6, s8  }
0xb: {  	v0 =	vimm.f32 $0.0e+00;
	v1 =	vimm.f32 $1.000000000e+00;
	s7 =	smax.u32 s7, $0x1;
	s8 =	simm.s32 $0x2800;
	s6 =	sadd.s32 $0x5000, s5  }
.LBB2_1:
0xc: {  	[tilespmem:s8], [sflag:$0x1] =	stream.linear.gather [hbm4b:s3+s2], $0x4E80, $0x38;
	[tilespmem:$0xC800] =	vst v63  }
0xd: {  	_ =	swait.ge [sflag:s9], $0x4E80  }
0xe: {  	[sflag:s9] =	ssyncset.done $0x0  }
0xf: {  	[sflag:s9] =	ssyncadd.s32 $0xFFFFB180  }
0x10: {  	[tilespmem:s10], [sflag:$0x1] =	stream.linear.gather [hbm4b:s4+s2], $0x4E80, $0x38;
	[tilespmem:$0xC800] =	vst v63  }
0x11: {  	_ =	swait.ge [sflag:s9], $0x4E80  }
0x12: {  	s12 =	simm.s32 $0x1C0;
	[sflag:s9] =	ssyncset.done $0x0  }
0x13: {  	s13 =	simm.s32 $0x70;
	s14 =	simm.s32 $0x3C0;
	[sflag:s9] =	ssyncadd.s32 $0xFFFFB180  }
.LBB2_2:
0x14: {  	p0 =	sne.s32 s14, $0x9FC0;
	[tilespmem:s13+$0x0] =	vst v0  }
0x15: {  	[tilespmem:s13+$0xFFFFFF90] =	vst v0  }
0x16: {  	[tilespmem:s13+$0xFFFFFFA0] =	vst v0  }
.Ltmp0:
0x17: {  	[tilespmem:s13+$0xFFFFFFB0] =	vst v0;
	(pc) =	sbr.rel @p0 .LBB2_2-.Ltmp0, $4  }
0x18: {  	[tilespmem:s13+$0xFFFFFFC0] =	vst v0  }
0x19: {  	[tilespmem:s13+$0xFFFFFFD0] =	vst v0  }
0x1a: {  	[tilespmem:s13+$0xFFFFFFE0] =	vst v0  }
0x1b: {  	[tilespmem:s13+$0xFFFFFFF0] =	vst v0;
	s13 =	sshra.s32 s14, $0x2;
	s14 =	sadd.s32 $0x200, s14  }
0x1c: {  	[tilespmem:s13+$0x0] =	vst v0  }
0x1d: {  	[tilespmem:s13+$0xFFFFFF90] =	vst v0  }
0x1e: {  	[tilespmem:s13+$0xFFFFFFA0] =	vst v0  }
0x1f: {  	[tilespmem:s13+$0xFFFFFFB0] =	vst v0  }
0x20: {  	[tilespmem:s13+$0xFFFFFFC0] =	vst v0  }
0x21: {  	[tilespmem:s13+$0xFFFFFFD0] =	vst v0  }
0x22: {  	[tilespmem:s13+$0xFFFFFFE0] =	vst v0  }
0x23: {  	[tilespmem:s13+$0xFFFFFFF0] =	vst v0  }
.LBB2_4:
0x24: {  	s13 =	sshra.s32 s12, $0x2  }
0x25: {  	v2 =	vld [tilespmem:s13+$0x2790];
	_ =	sdelay $0x7  }
0x26: {  	[tilespmem:v2+s2+$0x0] =	vst.idx.add.f32.msk $0xffff, v1  }
0x27: {  	v2 =	vld [tilespmem:s13+$0x27A0];
	_ =	sdelay $0x7  }
0x28: {  	[tilespmem:v2+s2+$0x0] =	vst.idx.add.f32.msk $0xffff, v1  }
0x29: {  	v2 =	vld [tilespmem:s13+$0x27B0];
	_ =	sdelay $0x7  }
0x2a: {  	[tilespmem:v2+s2+$0x0] =	vst.idx.add.f32.msk $0xffff, v1  }
0x2b: {  	v2 =	vld [tilespmem:s13+$0x27C0];
	_ =	sdelay $0x7  }
0x2c: {  	[tilespmem:v2+s2+$0x0] =	vst.idx.add.f32.msk $0xffff, v1  }
0x2d: {  	v2 =	vld [tilespmem:s13+$0x27D0];
	_ =	sdelay $0x7  }
0x2e: {  	[tilespmem:v2+s2+$0x0] =	vst.idx.add.f32.msk $0xffff, v1  }
0x2f: {  	v2 =	vld [tilespmem:s13+$0x27E0];
	_ =	sdelay $0x7  }
0x30: {  	[tilespmem:v2+s2+$0x0] =	vst.idx.add.f32.msk $0xffff, v1  }
0x31: {  	v2 =	vld [tilespmem:s13+$0x27F0];
	_ =	sdelay $0x7  }
0x32: {  	[tilespmem:v2+s2+$0x0] =	vst.idx.add.f32.msk $0xffff, v1  }
0x33: {  	v2 =	vld [tilespmem:s13+$0x2800];
	_ =	sdelay $0x2  }
0x34: {  	p0 =	sne.s32 s12, $0x139C0  }
.Ltmp1:
0x35: {  	_ = 	snop;
	(pc) =	sbr.rel @p0 .LBB2_4-.Ltmp1, $2  }
0x36: {  	_ =	sdelay $0x2  }
0x37: {  	s12 =	sadd.s32 $0x200, s12;
	[tilespmem:v2+s2+$0x0] =	vst.idx.add.f32.msk $0xffff, v1  }
0x38: {  	[hbm4b:s5+s2] =	stream.linear.scatter [tilespmem:s2], [sflag:$0x1], $0x2800, $0x38;
	[tilespmem:$0xC800] =	vst v63  }
0x39: {  	_ =	swait.ge [sflag:s9], $0x2800  }
0x3a: {  	s12 =	simm.s32 $0x1C0;
	[sflag:s9] =	ssyncset.done $0x0  }
0x3b: {  	s13 =	simm.s32 $0x70;
	s14 =	simm.s32 $0x3C0;
	[sflag:s9] =	ssyncadd.s32 $0xFFFFD800  }
.LBB2_6:
0x3c: {  	p0 =	sne.s32 s14, $0x9FC0;
	[tilespmem:s13+$0x0] =	vst v0  }
0x3d: {  	[tilespmem:s13+$0xFFFFFF90] =	vst v0  }
0x3e: {  	[tilespmem:s13+$0xFFFFFFA0] =	vst v0  }
.Ltmp2:
0x3f: {  	[tilespmem:s13+$0xFFFFFFB0] =	vst v0;
	(pc) =	sbr.rel @p0 .LBB2_6-.Ltmp2, $4  }
0x40: {  	[tilespmem:s13+$0xFFFFFFC0] =	vst v0  }
0x41: {  	[tilespmem:s13+$0xFFFFFFD0] =	vst v0  }
0x42: {  	[tilespmem:s13+$0xFFFFFFE0] =	vst v0  }
0x43: {  	[tilespmem:s13+$0xFFFFFFF0] =	vst v0;
	s13 =	sshra.s32 s14, $0x2;
	s14 =	sadd.s32 $0x200, s14  }
0x44: {  	[tilespmem:s13+$0x0] =	vst v0  }
0x45: {  	[tilespmem:s13+$0xFFFFFF90] =	vst v0  }
0x46: {  	[tilespmem:s13+$0xFFFFFFA0] =	vst v0  }
0x47: {  	[tilespmem:s13+$0xFFFFFFB0] =	vst v0  }
0x48: {  	[tilespmem:s13+$0xFFFFFFC0] =	vst v0  }
0x49: {  	[tilespmem:s13+$0xFFFFFFD0] =	vst v0  }
0x4a: {  	[tilespmem:s13+$0xFFFFFFE0] =	vst v0  }
0x4b: {  	[tilespmem:s13+$0xFFFFFFF0] =	vst v0  }
.LBB2_8:
0x4c: {  	s13 =	sshra.s32 s12, $0x2  }
0x4d: {  	v2 =	vld [tilespmem:s13+$0x7790];
	_ =	sdelay $0x7  }
0x4e: {  	[tilespmem:v2+s2+$0x0] =	vst.idx.add.f32.msk $0xffff, v1  }
0x4f: {  	v2 =	vld [tilespmem:s13+$0x77A0];
	_ =	sdelay $0x7  }
0x50: {  	[tilespmem:v2+s2+$0x0] =	vst.idx.add.f32.msk $0xffff, v1  }
0x51: {  	v2 =	vld [tilespmem:s13+$0x77B0];
	_ =	sdelay $0x7  }
0x52: {  	[tilespmem:v2+s2+$0x0] =	vst.idx.add.f32.msk $0xffff, v1  }
0x53: {  	v2 =	vld [tilespmem:s13+$0x77C0];
	_ =	sdelay $0x7  }
0x54: {  	[tilespmem:v2+s2+$0x0] =	vst.idx.add.f32.msk $0xffff, v1  }
0x55: {  	v2 =	vld [tilespmem:s13+$0x77D0];
	_ =	sdelay $0x7  }
0x56: {  	[tilespmem:v2+s2+$0x0] =	vst.idx.add.f32.msk $0xffff, v1  }
0x57: {  	v2 =	vld [tilespmem:s13+$0x77E0];
	_ =	sdelay $0x7  }
0x58: {  	[tilespmem:v2+s2+$0x0] =	vst.idx.add.f32.msk $0xffff, v1  }
0x59: {  	v2 =	vld [tilespmem:s13+$0x77F0];
	_ =	sdelay $0x7  }
0x5a: {  	[tilespmem:v2+s2+$0x0] =	vst.idx.add.f32.msk $0xffff, v1  }
0x5b: {  	v2 =	vld [tilespmem:s13+$0x7800];
	_ =	sdelay $0x2  }
0x5c: {  	p0 =	sne.s32 s12, $0x139C0  }
.Ltmp3:
0x5d: {  	_ = 	snop;
	(pc) =	sbr.rel @p0 .LBB2_8-.Ltmp3, $2  }
0x5e: {  	_ =	sdelay $0x2  }
0x5f: {  	s12 =	sadd.s32 $0x200, s12;
	[tilespmem:v2+s2+$0x0] =	vst.idx.add.f32.msk $0xffff, v1  }
0x60: {  	s11 =	sadd.s32 $0x1, s11  }
0x61: {  	p0 =	sne.s32 s11, s7  }
.Ltmp4:
0x62: {  	_ = 	snop;
	(pc) =	sbr.rel @p0 .LBB2_1-.Ltmp4, $4  }
0x63: {  	[hbm4b:s6+s2] =	stream.linear.scatter [tilespmem:s2], [sflag:$0x1], $0x2800, $0x38;
	[tilespmem:$0xC800] =	vst v63  }
0x64: {  	_ =	swait.ge [sflag:s9], $0x2800  }
0x65: {  	[sflag:s9] =	ssyncset.done $0x0  }
0x66: {  	[sflag:s9] =	ssyncadd.s32 $0xFFFFD800  }
0x67: {  	_ =	sfence.sel $0x180000  }
0x68: {  	[bflag:$0x0] =	sbarrier.arrive $0xFFFF  }
0x69: {  	p0 =	sne.s32 s0, $0x0;
	_ =	strace $0x90000047  }
0x6a: {  	s0 =	sadd.s32 @!p0 $0x100000, s1;
	[bflag:$0x2] =	sbarrier.arrive $0xFFFF  }
0x6b: {  	[sflag:s0] =	ssyncadd.tile.s32 @!p0 $0x1;
	_ =	shalt  }
.Lfunc_end2:
_tile_overlayer_lowered:
.L_overlay_start_2:
0x6c: {  	(tag) =	ssettag $0x2  }
0x6d: {  	s0 =	rddreg [dreg:$0x0];
	s2 =	stileid.u32  }
0x6e: {  	s1 =	rddreg [dreg:$0x1];
	p0 =	sne.s32 s2, $0x0  }
0x6f: {  	s3 =	rddreg [dreg:$0x2];
	[bflag:$0x3] =	sbarrier.arrive $0xFFFF;
	s2 =	simm.s32 @!p0 $0x1C01  }
0x70: {  	[timem:s3], [sflag:s2] =	dma.local @!p0 [hbm:s0], s1  }
0x71: {  	s0 =	simm.s32 @!p0 $0x1  }
0x72: {  	_ =	swait.ge @!p0 [sflag:s0], s1  }
0x73: {  	s1 =	ssub.s32 @!p0 $0x0, s1;
	[sflag:s0] =	ssyncset.done @!p0 $0x0  }
0x74: {  	[sflag:s0] =	ssyncadd.s32 @!p0 s1  }
0x75: {  	[bflag:$0x3] =	sbarrier.arrive $0xFFFF  }
0x76: {  	_ =	shalt  }

</sc_bundles>
